<compile_context>
chip_gen: v7x
topology: tpu7x:2x2x1
jax: 0.10.2.dev20260603
libtpu: 0.0.44.dev20260713+nightly
codegen_flags: <defaults>
</compile_context>

<pallas_src>
import functools
import math

import jax
import jax.numpy as jnp
from jax import lax
from jax.experimental import pallas as pl
from jax.experimental.pallas import tpu as pltpu
from jax.experimental.pallas import tpu_sc as plsc

B = 16384
F = 26
V = 100000
D = 50
ND = 13
BF = B * F
H1 = 1024
H2 = 512
EPS = 1e-5
DP = 64


_NC, _NS = 2, 16
_NW = _NC * _NS
_RPW = BF // _NW
_CH = 128
_NCHUNK = _RPW // _CH

@functools.cache
def _build_sc_gather():
    mesh = plsc.VectorSubcoreMesh(
        core_axis_name="c", subcore_axis_name="s", num_cores=_NC
    )

    @functools.partial(
        pl.kernel,
        out_type=jax.ShapeDtypeStruct((BF, DP), jnp.float32),
        mesh=mesh,
        compiler_params=pltpu.CompilerParams(use_tc_tiling_on_sc=False),
        scratch_types=[
            pltpu.VMEM((_NCHUNK, _CH), jnp.int32),
            pltpu.VMEM((_NCHUNK, _CH), jnp.int32),
            pltpu.VMEM((_CH, DP), jnp.float32),
            pltpu.VMEM((_CH, DP), jnp.float32),
            pltpu.SemaphoreType.DMA,
            pltpu.SemaphoreType.DMA,
        ],
    )
    def _sc_gather(cat_hbm, table_hbm, emb_hbm, cat_v, idx_v, buf_a, buf_b,
                   sem_a, sem_b):
        wid = lax.axis_index("s") * _NC + lax.axis_index("c")
        base = wid * _RPW
        pltpu.sync_copy(cat_hbm.at[pl.ds(wid * _NCHUNK, _NCHUNK)], cat_v)

        lane = lax.iota(jnp.int32, 16)

        def _idx_step(j, carry):
            for k in range(_CH // 16):
                s = pl.ds(k * 16, 16)
                q = base + j * _CH + k * 16 + lane
                f = lax.rem(q, F)
                v = cat_v[j, s]
                blk = f * _NJ + (v >> 14)
                row = ((v & 8191) << 1) + ((v >> 13) & 1)
                idx_v[j, s] = blk * _VC + row
            return carry

        lax.fori_loop(0, _NCHUNK, _idx_step, 0)

        def _start(j, buf, sem):
            return pltpu.async_copy(table_hbm.at[idx_v.at[j]], buf, sem)

        def _drain(j, buf, sem):
            pltpu.make_async_copy(table_hbm.at[idx_v.at[j]], buf, sem).wait()
            pltpu.sync_copy(buf, emb_hbm.at[pl.ds(base + j * _CH, _CH)])

        _start(0, buf_a, sem_a)

        def _pair_step(t, carry):
            _start(2 * t + 1, buf_b, sem_b)
            _drain(2 * t, buf_a, sem_a)

            @pl.when(t + 1 < _NCHUNK // 2)
            def _():
                _start(2 * t + 2, buf_a, sem_a)

            _drain(2 * t + 1, buf_b, sem_b)
            return carry

        lax.fori_loop(0, _NCHUNK // 2, _pair_step, 0)

    return _sc_gather



_VC = 16384
_NJ = 7
_VP = _VC * _NJ


def _fmt_body(tab_ref, out_ref):
    x = tab_ref[0]
    ya = x[:, : _VC // 2].T
    yb = x[:, _VC // 2 :].T
    zp = jnp.zeros((_VC // 2, DP - D), jnp.float32)
    out2d = jnp.concatenate([ya, zp, yb, zp], axis=1)
    out_ref[...] = out2d.reshape(_VC // 16, 8, 128)


def _format_table(tabT):
    return pl.pallas_call(
        _fmt_body,
        grid=(F, _NJ),
        in_specs=[pl.BlockSpec((1, D, _VC), lambda f, j: (f, 0, j))],
        out_specs=pl.BlockSpec(
            (_VC // 16, 8, 128), lambda f, j: (f * _NJ + j, 0, 0)
        ),
        out_shape=jax.ShapeDtypeStruct(
            (F * _VP // 16, 8, 128), jnp.float32
        ),
    )(tabT)



_TB = 1024
_NT = B // _TB

_SQRT1_2 = 1.0 / math.sqrt(2.0)


def _gelu(x):
    return 0.5 * x * (1.0 + lax.erf(x * _SQRT1_2))


def _bn_gelu(z_tile, st, g, be):
    s = st[0:1, :]
    sq = st[1:2, :]
    mean = s * (1.0 / B)
    var = sq * (1.0 / B) - mean * mean
    inv = lax.rsqrt(var + EPS)
    h = (z_tile - mean) * (inv * g) + be
    return _gelu(h)


def _acc_stats(i, st_ref, z):
    @pl.when(i == 0)
    def _():
        st_ref[...] = jnp.zeros_like(st_ref)

    st_ref[0:1, :] += jnp.sum(z, axis=0, keepdims=True)
    st_ref[1:2, :] += jnp.sum(z * z, axis=0, keepdims=True)


def _p1_body(emb_ref, nx_ref, w1a_ref, w1b_ref, b1_ref, z1_ref, st_ref):
    z = (
        jnp.dot(emb_ref[...].astype(jnp.bfloat16), w1a_ref[...],
                preferred_element_type=jnp.float32)
        + jnp.dot(nx_ref[...], w1b_ref[...], preferred_element_type=jnp.float32)
        + b1_ref[...]
    )
    z1_ref[...] = z
    _acc_stats(pl.program_id(0), st_ref, z)


def _p23_body(z1_ref, st1_ref, g1_ref, be1_ref, w2_ref, b2_ref,
              g2_ref, be2_ref, w3_ref, b3_ref, out_ref, z2_s, st2_s):
    i = pl.program_id(0)
    t = lax.rem(i, _NT)
    rows = pl.ds(t * _TB, _TB)

    @pl.when(i < _NT)
    def _():
        a = _bn_gelu(z1_ref[...], st1_ref[...], g1_ref[...], be1_ref[...])
        z = jnp.dot(a.astype(jnp.bfloat16), w2_ref[...],
                    preferred_element_type=jnp.float32) + b2_ref[...]
        z2_s[rows, :] = z.astype(jnp.bfloat16)

        @pl.when(i == 0)
        def _():
            st2_s[...] = jnp.zeros_like(st2_s)

        st2_s[0:1, :] += jnp.sum(z, axis=0, keepdims=True)
        st2_s[1:2, :] += jnp.sum(z * z, axis=0, keepdims=True)

    @pl.when(i >= _NT)
    def _():
        a = _bn_gelu(z2_s[rows, :].astype(jnp.float32), st2_s[...],
                     g2_ref[...], be2_ref[...])
        out_ref[...] = (
            jnp.dot(a, w3_ref[...], preferred_element_type=jnp.float32)
            + b3_ref[...]
        )


def _row_spec(cols):
    return pl.BlockSpec((_TB, cols), lambda i: (i, 0))


def _full_spec(r, c):
    return pl.BlockSpec((r, c), lambda i: (0, 0))


def _mlp1(emb2, num_x, w1a, w1b, b1r):
    return pl.pallas_call(
        _p1_body,
        grid=(_NT,),
        in_specs=[
            _row_spec(F * DP),
            _row_spec(ND),
            _full_spec(F * DP, H1),
            _full_spec(ND, H1),
            _full_spec(1, H1),
        ],
        out_specs=[_row_spec(H1), _full_spec(2, H1)],
        out_shape=[
            jax.ShapeDtypeStruct((B, H1), jnp.float32),
            jax.ShapeDtypeStruct((2, H1), jnp.float32),
        ],
    )(emb2, num_x, w1a, w1b, b1r)


def _mlp23(z1, st1, g1r, be1r, W2, b2r, g2r, be2r, W3, b3r):
    row1 = pl.BlockSpec(
        (_TB, H1), lambda i: (jnp.where(i < _NT, i, _NT - 1), 0)
    )
    outspec = pl.BlockSpec(
        (_TB, 1), lambda i: (jnp.where(i < _NT, 0, i - _NT), 0)
    )
    return pl.pallas_call(
        _p23_body,
        grid=(2 * _NT,),
        in_specs=[
            row1,
            _full_spec(2, H1),
            _full_spec(1, H1),
            _full_spec(1, H1),
            _full_spec(H1, H2),
            _full_spec(1, H2),
            _full_spec(1, H2),
            _full_spec(1, H2),
            _full_spec(H2, 1),
            _full_spec(1, 1),
        ],
        out_specs=outspec,
        out_shape=jax.ShapeDtypeStruct((B, 1), jnp.float32),
        scratch_shapes=[
            pltpu.VMEM((B, H2), jnp.bfloat16),
            pltpu.VMEM((2, H2), jnp.float32),
        ],
    )(z1, st1, g1r, be1r, W2, b2r, g2r, be2r, W3, b3r)


def kernel(cat_x, num_x, tables, W1, b1, g1, be1, W2, b2, g2, be2, W3, b3):
    cat_flat = cat_x.astype(jnp.int32).reshape(BF // _CH, _CH)
    tabT = jnp.transpose(tables, (0, 2, 1))
    table2 = _format_table(tabT).reshape(F * _VP, DP)
    emb = _build_sc_gather()(cat_flat, table2)
    emb2 = emb.reshape(B, F * DP)

    w1a = jnp.pad(W1[: F * D].reshape(F, D, H1), ((0, 0), (0, DP - D), (0, 0)))
    w1a = w1a.reshape(F * DP, H1).astype(jnp.bfloat16)
    z1, st1 = _mlp1(emb2, num_x, w1a, W1[F * D :], b1.reshape(1, H1))
    out = _mlp23(z1, st1, g1.reshape(1, H1), be1.reshape(1, H1),
                 W2.astype(jnp.bfloat16), b2.reshape(1, H2),
                 g2.reshape(1, H2), be2.reshape(1, H2), W3, b3.reshape(1, 1))
    return out

# --- scband reference (transcript-rebuilt; emitter-appended) ---
"""Pipeline reference for scband-demand-prediction-model-1271310319657 (READ-ONLY COPY).

The authoritative reference and input builder live on the scoring server;
editing this copy changes nothing except your own understanding.
"""

import jax, jax.numpy as jnp
import numpy as np

B = 16384
F = 26
V = 100000
D = 50
ND = 13
H_IN = F * D + ND  # 1313

def setup_inputs(seed: int = 0) -> dict:
    key = jax.random.key(seed)
    ks = jax.random.split(key, 16)
    cat_x = jax.random.randint(ks[0], (B, F), 0, V, dtype=jnp.int32).astype(jnp.int64)
    num_x = jax.random.normal(ks[1], (B, ND), dtype=jnp.float32)
    tables = jax.random.normal(ks[2], (F, V, D), dtype=jnp.float32) * 0.02
    W1 = jax.random.normal(ks[3], (H_IN, 1024), dtype=jnp.float32) * 0.02
    b1 = jnp.zeros((1024,), dtype=jnp.float32)
    g1 = jnp.ones((1024,), dtype=jnp.float32)
    be1 = jnp.zeros((1024,), dtype=jnp.float32)
    W2 = jax.random.normal(ks[4], (1024, 512), dtype=jnp.float32) * 0.02
    b2 = jnp.zeros((512,), dtype=jnp.float32)
    g2 = jnp.ones((512,), dtype=jnp.float32)
    be2 = jnp.zeros((512,), dtype=jnp.float32)
    W3 = jax.random.normal(ks[5], (512, 1), dtype=jnp.float32) * 0.02
    b3 = jnp.zeros((1,), dtype=jnp.float32)
    return {"cat_x": cat_x, "num_x": num_x, "tables": tables,
            "W1": W1, "b1": b1, "g1": g1, "be1": be1,
            "W2": W2, "b2": b2, "g2": g2, "be2": be2,
            "W3": W3, "b3": b3}

def _batchnorm(h, gamma, beta, eps=1e-5):
    mean = jnp.mean(h, axis=0, keepdims=True)
    var = jnp.var(h, axis=0, keepdims=True)
    return (h - mean) / jnp.sqrt(var + eps) * gamma + beta

def reference(cat_x, num_x, tables, W1, b1, g1, be1, W2, b2, g2, be2, W3, b3):
    # per-field embedding gather: tables[f][cat_x[:, f]] for each field f
    emb = jax.vmap(lambda t, idx: jnp.take(t, idx, axis=0), in_axes=(0, 1), out_axes=1)(tables, cat_x)  # [B, F, D]
    h = jnp.concatenate([emb.reshape(emb.shape[0], -1), num_x], axis=1)  # [B, F*D+ND]
    h = h @ W1 + b1
    h = _batchnorm(h, g1, be1)
    h = jax.nn.gelu(h, approximate=False)
    h = h @ W2 + b2
    h = _batchnorm(h, g2, be2)
    h = jax.nn.gelu(h, approximate=False)
    out = h @ W3 + b3
    return out

if __name__ == "__main__":
    import jax
    _d = setup_inputs()
    print(jax.jit(kernel)(*tuple(_d.values())))

</pallas_src>

<mosaic_0001>
#map = affine_map<(d0, d1) -> (0, 0)>
module attributes {stable_mosaic.version = 14 : i64} {
  func.func @_sc_gather(%arg0: i32, %arg1: i32, %arg2: memref<3328x128xi32, #tpu.memory_space<hbm>>, %arg3: memref<2981888x64xf32, #tpu.memory_space<hbm>>, %arg4: memref<425984x64xf32, #tpu.memory_space<hbm>>, %arg5: memref<104x128xi32, #tpu.memory_space<vmem>>, %arg6: memref<104x128xi32, #tpu.memory_space<vmem>>, %arg7: memref<128x64xf32, #tpu.memory_space<vmem>>, %arg8: memref<128x64xf32, #tpu.memory_space<vmem>>, %arg9: memref<!tpu.dma_semaphore, #tpu.memory_space<semaphore_mem>>, %arg10: memref<!tpu.dma_semaphore, #tpu.memory_space<semaphore_mem>>) attributes {dimension_semantics = [#tpu.dimension_semantics<core_parallel>, #tpu.dimension_semantics<subcore_parallel>], iteration_bounds = array<i64: 2, 16>, scalar_prefetch = 0 : i64, scratch_operands = 6 : i64, tpu.core_type = #tpu.core_type<sc_vector_subcore>, window_params = [{transform_indices = #map}, {transform_indices = #map}, {transform_indices = #map}]} {
    %mul3A = arith.constant 2 : i32
    %mul3A_0 = arith.muli %arg1, %mul3A : i32
    %add3A = arith.addi %mul3A_0, %arg0 : i32
    %mul3A_1 = arith.constant 13312 : i32
    %mul3A_2 = arith.muli %add3A, %mul3A_1 : i32
    %mul3A_3 = arith.constant 104 : i32
    %mul3A_4 = arith.muli %add3A, %mul3A_3 : i32
    "tpu.region"() ({
      %run_scoped3A = tpu.sem_alloc : memref<!tpu.dma_semaphore, #tpu.memory_space<semaphore_mem>>
      %dma_start3A_22 = arith.constant 0 : i32
      %dma_start3A_23 = tpu.memref_slice %arg2[%mul3A_4, %dma_start3A_22] : memref<3328x128xi32, #tpu.memory_space<hbm>> -> memref<104x128xi32, #tpu.memory_space<hbm>>
      %dma_start3A_24 = arith.constant 0 : i32
      %dma_start3A_25 = tpu.memref_slice %arg2[%mul3A_4, %dma_start3A_24] : memref<3328x128xi32, #tpu.memory_space<hbm>> -> memref<104x128xi32, #tpu.memory_space<hbm>>
      tpu.enqueue_dma source(%dma_start3A_25 : memref<104x128xi32, #tpu.memory_space<hbm>>) target(%arg5 : memref<104x128xi32, #tpu.memory_space<vmem>>) target_semaphore(%run_scoped3A : memref<!tpu.dma_semaphore, #tpu.memory_space<semaphore_mem>>)
      %dma_wait3A = arith.constant 0 : i32
      %dma_wait3A_26 = tpu.memref_slice %arg2[%mul3A_4, %dma_wait3A] : memref<3328x128xi32, #tpu.memory_space<hbm>> -> memref<104x128xi32, #tpu.memory_space<hbm>>
      %dma_wait3A_27 = arith.constant 0 : i32
      %dma_wait3A_28 = tpu.memref_slice %arg2[%mul3A_4, %dma_wait3A_27] : memref<3328x128xi32, #tpu.memory_space<hbm>> -> memref<104x128xi32, #tpu.memory_space<hbm>>
      tpu.wait_dma2 semaphore(%run_scoped3A : memref<!tpu.dma_semaphore, #tpu.memory_space<semaphore_mem>>) src(%dma_wait3A_28 : memref<104x128xi32, #tpu.memory_space<hbm>>) dst(%arg5 : memref<104x128xi32, #tpu.memory_space<vmem>>)
      tpu.yield
    }) : () -> ()
    %iota3A = tpu.iota {dimensions = array<i32: 0>} : vector<16xi32>
    %scan3A = arith.constant 0 : i32
    %scan3A_5 = arith.constant 0 : i32
    %scan3A_6 = arith.constant 104 : i32
    %scan3A_7 = arith.addi %scan3A_5, %scan3A_6 : i32
    %scan3A_8 = arith.constant 1 : i32
    scf.for %scan3A_22 = %scan3A_5 to %scan3A_7 step %scan3A_8  : i32 {
      %mul3A_23 = arith.constant 128 : i32
      %mul3A_24 = arith.muli %scan3A_22, %mul3A_23 : i32
      %add3A_25 = arith.addi %mul3A_2, %mul3A_24 : i32
      %add3A_26 = arith.constant 0 : i32
      %add3A_27 = arith.addi %add3A_25, %add3A_26 : i32
      %add3A_28 = vector.broadcast %add3A_27 : i32 to vector<16xi32>
      %add3A_29 = arith.addi %add3A_28, %iota3A : vector<16xi32>
      %rem3A = arith.constant 26 : i32
      %rem3A_30 = vector.broadcast %rem3A : i32 to vector<16xi32>
      %rem3A_31 = arith.remsi %add3A_29, %rem3A_30 : vector<16xi32>
      %get3A = arith.index_cast %scan3A_22 : i32 to index
      %get3A_32 = arith.constant 0 : index
      %get3A_33 = tpu.vector_load %arg5[%get3A, %get3A_32] {strides = array<i32>} : memref<104x128xi32, #tpu.memory_space<vmem>>, vector<1x16xi32>,
      %get3A_34 = vector.shape_cast %get3A_33 : vector<1x16xi32> to vector<16xi32>
      %mul3A_35 = arith.constant 7 : i32
      %mul3A_36 = vector.broadcast %mul3A_35 : i32 to vector<16xi32>
      %mul3A_37 = arith.muli %rem3A_31, %mul3A_36 : vector<16xi32>
      %shift_right_arithmetic3A = arith.constant 14 : i32
      %shift_right_arithmetic3A_38 = vector.broadcast %shift_right_arithmetic3A : i32 to vector<16xi32>
      %shift_right_arithmetic3A_39 = arith.shrsi %get3A_34, %shift_right_arithmetic3A_38 : vector<16xi32>
      %add3A_40 = arith.addi %mul3A_37, %shift_right_arithmetic3A_39 : vector<16xi32>
      %and3A = arith.constant 8191 : i32
      %and3A_41 = vector.broadcast %and3A : i32 to vector<16xi32>
      %and3A_42 = arith.andi %get3A_34, %and3A_41 : vector<16xi32>
      %shift_left3A = arith.constant 1 : i32
      %shift_left3A_43 = vector.broadcast %shift_left3A : i32 to vector<16xi32>
      %shift_left3A_44 = arith.shli %and3A_42, %shift_left3A_43 : vector<16xi32>
      %shift_right_arithmetic3A_45 = arith.constant 13 : i32
      %shift_right_arithmetic3A_46 = vector.broadcast %shift_right_arithmetic3A_45 : i32 to vector<16xi32>
      %shift_right_arithmetic3A_47 = arith.shrsi %get3A_34, %shift_right_arithmetic3A_46 : vector<16xi32>
      %and3A_48 = arith.constant 1 : i32
      %and3A_49 = vector.broadcast %and3A_48 : i32 to vector<16xi32>
      %and3A_50 = arith.andi %shift_right_arithmetic3A_47, %and3A_49 : vector<16xi32>
      %add3A_51 = arith.addi %shift_left3A_44, %and3A_50 : vector<16xi32>
      %mul3A_52 = arith.constant 16384 : i32
      %mul3A_53 = vector.broadcast %mul3A_52 : i32 to vector<16xi32>
      %mul3A_54 = arith.muli %add3A_40, %mul3A_53 : vector<16xi32>
      %add3A_55 = arith.addi %mul3A_54, %add3A_51 : vector<16xi32>
      %swap3A = arith.index_cast %scan3A_22 : i32 to index
      %swap3A_56 = arith.constant 0 : index
      %swap3A_57 = tpu.vector_load %arg6[%swap3A, %swap3A_56] {strides = array<i32>} : memref<104x128xi32, #tpu.memory_space<vmem>>, vector<1x16xi32>,
      %swap3A_58 = vector.shape_cast %swap3A_57 : vector<1x16xi32> to vector<16xi32>
      %swap3A_59 = vector.shape_cast %add3A_55 : vector<16xi32> to vector<1x16xi32>
      tpu.vector_store %arg6[%swap3A, %swap3A_56], %swap3A_59 {strides = array<i32>} : memref<104x128xi32, #tpu.memory_space<vmem>>, vector<1x16xi32>,
      %mul3A_60 = arith.constant 128 : i32
      %mul3A_61 = arith.muli %scan3A_22, %mul3A_60 : i32
      %add3A_62 = arith.addi %mul3A_2, %mul3A_61 : i32
      %add3A_63 = arith.constant 16 : i32
      %add3A_64 = arith.addi %add3A_62, %add3A_63 : i32
      %add3A_65 = vector.broadcast %add3A_64 : i32 to vector<16xi32>
      %add3A_66 = arith.addi %add3A_65, %iota3A : vector<16xi32>
      %rem3A_67 = arith.constant 26 : i32
      %rem3A_68 = vector.broadcast %rem3A_67 : i32 to vector<16xi32>
      %rem3A_69 = arith.remsi %add3A_66, %rem3A_68 : vector<16xi32>
      %get3A_70 = arith.index_cast %scan3A_22 : i32 to index
      %get3A_71 = arith.constant 16 : index
      %get3A_72 = tpu.vector_load %arg5[%get3A_70, %get3A_71] {strides = array<i32>} : memref<104x128xi32, #tpu.memory_space<vmem>>, vector<1x16xi32>,
      %get3A_73 = vector.shape_cast %get3A_72 : vector<1x16xi32> to vector<16xi32>
      %mul3A_74 = arith.constant 7 : i32
      %mul3A_75 = vector.broadcast %mul3A_74 : i32 to vector<16xi32>
      %mul3A_76 = arith.muli %rem3A_69, %mul3A_75 : vector<16xi32>
      %shift_right_arithmetic3A_77 = arith.constant 14 : i32
      %shift_right_arithmetic3A_78 = vector.broadcast %shift_right_arithmetic3A_77 : i32 to vector<16xi32>
      %shift_right_arithmetic3A_79 = arith.shrsi %get3A_73, %shift_right_arithmetic3A_78 : vector<16xi32>
      %add3A_80 = arith.addi %mul3A_76, %shift_right_arithmetic3A_79 : vector<16xi32>
      %and3A_81 = arith.constant 8191 : i32
      %and3A_82 = vector.broadcast %and3A_81 : i32 to vector<16xi32>
      %and3A_83 = arith.andi %get3A_73, %and3A_82 : vector<16xi32>
      %shift_left3A_84 = arith.constant 1 : i32
      %shift_left3A_85 = vector.broadcast %shift_left3A_84 : i32 to vector<16xi32>
      %shift_left3A_86 = arith.shli %and3A_83, %shift_left3A_85 : vector<16xi32>
      %shift_right_arithmetic3A_87 = arith.constant 13 : i32
      %shift_right_arithmetic3A_88 = vector.broadcast %shift_right_arithmetic3A_87 : i32 to vector<16xi32>
      %shift_right_arithmetic3A_89 = arith.shrsi %get3A_73, %shift_right_arithmetic3A_88 : vector<16xi32>
      %and3A_90 = arith.constant 1 : i32
      %and3A_91 = vector.broadcast %and3A_90 : i32 to vector<16xi32>
      %and3A_92 = arith.andi %shift_right_arithmetic3A_89, %and3A_91 : vector<16xi32>
      %add3A_93 = arith.addi %shift_left3A_86, %and3A_92 : vector<16xi32>
      %mul3A_94 = arith.constant 16384 : i32
      %mul3A_95 = vector.broadcast %mul3A_94 : i32 to vector<16xi32>
      %mul3A_96 = arith.muli %add3A_80, %mul3A_95 : vector<16xi32>
      %add3A_97 = arith.addi %mul3A_96, %add3A_93 : vector<16xi32>
      %swap3A_98 = arith.index_cast %scan3A_22 : i32 to index
      %swap3A_99 = arith.constant 16 : index
      %swap3A_100 = tpu.vector_load %arg6[%swap3A_98, %swap3A_99] {strides = array<i32>} : memref<104x128xi32, #tpu.memory_space<vmem>>, vector<1x16xi32>,
      %swap3A_101 = vector.shape_cast %swap3A_100 : vector<1x16xi32> to vector<16xi32>
      %swap3A_102 = vector.shape_cast %add3A_97 : vector<16xi32> to vector<1x16xi32>
      tpu.vector_store %arg6[%swap3A_98, %swap3A_99], %swap3A_102 {strides = array<i32>} : memref<104x128xi32, #tpu.memory_space<vmem>>, vector<1x16xi32>,
      %mul3A_103 = arith.constant 128 : i32
      %mul3A_104 = arith.muli %scan3A_22, %mul3A_103 : i32
      %add3A_105 = arith.addi %mul3A_2, %mul3A_104 : i32
      %add3A_106 = arith.constant 32 : i32
      %add3A_107 = arith.addi %add3A_105, %add3A_106 : i32
      %add3A_108 = vector.broadcast %add3A_107 : i32 to vector<16xi32>
      %add3A_109 = arith.addi %add3A_108, %iota3A : vector<16xi32>
      %rem3A_110 = arith.constant 26 : i32
      %rem3A_111 = vector.broadcast %rem3A_110 : i32 to vector<16xi32>
      %rem3A_112 = arith.remsi %add3A_109, %rem3A_111 : vector<16xi32>
      %get3A_113 = arith.index_cast %scan3A_22 : i32 to index
      %get3A_114 = arith.constant 32 : index
      %get3A_115 = tpu.vector_load %arg5[%get3A_113, %get3A_114] {strides = array<i32>} : memref<104x128xi32, #tpu.memory_space<vmem>>, vector<1x16xi32>,
      %get3A_116 = vector.shape_cast %get3A_115 : vector<1x16xi32> to vector<16xi32>
      %mul3A_117 = arith.constant 7 : i32
      %mul3A_118 = vector.broadcast %mul3A_117 : i32 to vector<16xi32>
      %mul3A_119 = arith.muli %rem3A_112, %mul3A_118 : vector<16xi32>
      %shift_right_arithmetic3A_120 = arith.constant 14 : i32
      %shift_right_arithmetic3A_121 = vector.broadcast %shift_right_arithmetic3A_120 : i32 to vector<16xi32>
      %shift_right_arithmetic3A_122 = arith.shrsi %get3A_116, %shift_right_arithmetic3A_121 : vector<16xi32>
      %add3A_123 = arith.addi %mul3A_119, %shift_right_arithmetic3A_122 : vector<16xi32>
      %and3A_124 = arith.constant 8191 : i32
      %and3A_125 = vector.broadcast %and3A_124 : i32 to vector<16xi32>
      %and3A_126 = arith.andi %get3A_116, %and3A_125 : vector<16xi32>
      %shift_left3A_127 = arith.constant 1 : i32
      %shift_left3A_128 = vector.broadcast %shift_left3A_127 : i32 to vector<16xi32>
      %shift_left3A_129 = arith.shli %and3A_126, %shift_left3A_128 : vector<16xi32>
      %shift_right_arithmetic3A_130 = arith.constant 13 : i32
      %shift_right_arithmetic3A_131 = vector.broadcast %shift_right_arithmetic3A_130 : i32 to vector<16xi32>
      %shift_right_arithmetic3A_132 = arith.shrsi %get3A_116, %shift_right_arithmetic3A_131 : vector<16xi32>
      %and3A_133 = arith.constant 1 : i32
      %and3A_134 = vector.broadcast %and3A_133 : i32 to vector<16xi32>
      %and3A_135 = arith.andi %shift_right_arithmetic3A_132, %and3A_134 : vector<16xi32>
      %add3A_136 = arith.addi %shift_left3A_129, %and3A_135 : vector<16xi32>
      %mul3A_137 = arith.constant 16384 : i32
      %mul3A_138 = vector.broadcast %mul3A_137 : i32 to vector<16xi32>
      %mul3A_139 = arith.muli %add3A_123, %mul3A_138 : vector<16xi32>
      %add3A_140 = arith.addi %mul3A_139, %add3A_136 : vector<16xi32>
      %swap3A_141 = arith.index_cast %scan3A_22 : i32 to index
      %swap3A_142 = arith.constant 32 : index
      %swap3A_143 = tpu.vector_load %arg6[%swap3A_141, %swap3A_142] {strides = array<i32>} : memref<104x128xi32, #tpu.memory_space<vmem>>, vector<1x16xi32>,
      %swap3A_144 = vector.shape_cast %swap3A_143 : vector<1x16xi32> to vector<16xi32>
      %swap3A_145 = vector.shape_cast %add3A_140 : vector<16xi32> to vector<1x16xi32>
      tpu.vector_store %arg6[%swap3A_141, %swap3A_142], %swap3A_145 {strides = array<i32>} : memref<104x128xi32, #tpu.memory_space<vmem>>, vector<1x16xi32>,
      %mul3A_146 = arith.constant 128 : i32
      %mul3A_147 = arith.muli %scan3A_22, %mul3A_146 : i32
      %add3A_148 = arith.addi %mul3A_2, %mul3A_147 : i32
      %add3A_149 = arith.constant 48 : i32
      %add3A_150 = arith.addi %add3A_148, %add3A_149 : i32
      %add3A_151 = vector.broadcast %add3A_150 : i32 to vector<16xi32>
      %add3A_152 = arith.addi %add3A_151, %iota3A : vector<16xi32>
      %rem3A_153 = arith.constant 26 : i32
      %rem3A_154 = vector.broadcast %rem3A_153 : i32 to vector<16xi32>
      %rem3A_155 = arith.remsi %add3A_152, %rem3A_154 : vector<16xi32>
      %get3A_156 = arith.index_cast %scan3A_22 : i32 to index
      %get3A_157 = arith.constant 48 : index
      %get3A_158 = tpu.vector_load %arg5[%get3A_156, %get3A_157] {strides = array<i32>} : memref<104x128xi32, #tpu.memory_space<vmem>>, vector<1x16xi32>,
      %get3A_159 = vector.shape_cast %get3A_158 : vector<1x16xi32> to vector<16xi32>
      %mul3A_160 = arith.constant 7 : i32
      %mul3A_161 = vector.broadcast %mul3A_160 : i32 to vector<16xi32>
      %mul3A_162 = arith.muli %rem3A_155, %mul3A_161 : vector<16xi32>
      %shift_right_arithmetic3A_163 = arith.constant 14 : i32
      %shift_right_arithmetic3A_164 = vector.broadcast %shift_right_arithmetic3A_163 : i32 to vector<16xi32>
      %shift_right_arithmetic3A_165 = arith.shrsi %get3A_159, %shift_right_arithmetic3A_164 : vector<16xi32>
      %add3A_166 = arith.addi %mul3A_162, %shift_right_arithmetic3A_165 : vector<16xi32>
      %and3A_167 = arith.constant 8191 : i32
      %and3A_168 = vector.broadcast %and3A_167 : i32 to vector<16xi32>
      %and3A_169 = arith.andi %get3A_159, %and3A_168 : vector<16xi32>
      %shift_left3A_170 = arith.constant 1 : i32
      %shift_left3A_171 = vector.broadcast %shift_left3A_170 : i32 to vector<16xi32>
      %shift_left3A_172 = arith.shli %and3A_169, %shift_left3A_171 : vector<16xi32>
      %shift_right_arithmetic3A_173 = arith.constant 13 : i32
      %shift_right_arithmetic3A_174 = vector.broadcast %shift_right_arithmetic3A_173 : i32 to vector<16xi32>
      %shift_right_arithmetic3A_175 = arith.shrsi %get3A_159, %shift_right_arithmetic3A_174 : vector<16xi32>
      %and3A_176 = arith.constant 1 : i32
      %and3A_177 = vector.broadcast %and3A_176 : i32 to vector<16xi32>
      %and3A_178 = arith.andi %shift_right_arithmetic3A_175, %and3A_177 : vector<16xi32>
      %add3A_179 = arith.addi %shift_left3A_172, %and3A_178 : vector<16xi32>
      %mul3A_180 = arith.constant 16384 : i32
      %mul3A_181 = vector.broadcast %mul3A_180 : i32 to vector<16xi32>
      %mul3A_182 = arith.muli %add3A_166, %mul3A_181 : vector<16xi32>
      %add3A_183 = arith.addi %mul3A_182, %add3A_179 : vector<16xi32>
      %swap3A_184 = arith.index_cast %scan3A_22 : i32 to index
      %swap3A_185 = arith.constant 48 : index
      %swap3A_186 = tpu.vector_load %arg6[%swap3A_184, %swap3A_185] {strides = array<i32>} : memref<104x128xi32, #tpu.memory_space<vmem>>, vector<1x16xi32>,
      %swap3A_187 = vector.shape_cast %swap3A_186 : vector<1x16xi32> to vector<16xi32>
      %swap3A_188 = vector.shape_cast %add3A_183 : vector<16xi32> to vector<1x16xi32>
      tpu.vector_store %arg6[%swap3A_184, %swap3A_185], %swap3A_188 {strides = array<i32>} : memref<104x128xi32, #tpu.memory_space<vmem>>, vector<1x16xi32>,
      %mul3A_189 = arith.constant 128 : i32
      %mul3A_190 = arith.muli %scan3A_22, %mul3A_189 : i32
      %add3A_191 = arith.addi %mul3A_2, %mul3A_190 : i32
      %add3A_192 = arith.constant 64 : i32
      %add3A_193 = arith.addi %add3A_191, %add3A_192 : i32
      %add3A_194 = vector.broadcast %add3A_193 : i32 to vector<16xi32>
      %add3A_195 = arith.addi %add3A_194, %iota3A : vector<16xi32>
      %rem3A_196 = arith.constant 26 : i32
      %rem3A_197 = vector.broadcast %rem3A_196 : i32 to vector<16xi32>
      %rem3A_198 = arith.remsi %add3A_195, %rem3A_197 : vector<16xi32>
      %get3A_199 = arith.index_cast %scan3A_22 : i32 to index
      %get3A_200 = arith.constant 64 : index
      %get3A_201 = tpu.vector_load %arg5[%get3A_199, %get3A_200] {strides = array<i32>} : memref<104x128xi32, #tpu.memory_space<vmem>>, vector<1x16xi32>,
      %get3A_202 = vector.shape_cast %get3A_201 : vector<1x16xi32> to vector<16xi32>
      %mul3A_203 = arith.constant 7 : i32
      %mul3A_204 = vector.broadcast %mul3A_203 : i32 to vector<16xi32>
      %mul3A_205 = arith.muli %rem3A_198, %mul3A_204 : vector<16xi32>
      %shift_right_arithmetic3A_206 = arith.constant 14 : i32
      %shift_right_arithmetic3A_207 = vector.broadcast %shift_right_arithmetic3A_206 : i32 to vector<16xi32>
      %shift_right_arithmetic3A_208 = arith.shrsi %get3A_202, %shift_right_arithmetic3A_207 : vector<16xi32>
      %add3A_209 = arith.addi %mul3A_205, %shift_right_arithmetic3A_208 : vector<16xi32>
      %and3A_210 = arith.constant 8191 : i32
      %and3A_211 = vector.broadcast %and3A_210 : i32 to vector<16xi32>
      %and3A_212 = arith.andi %get3A_202, %and3A_211 : vector<16xi32>
      %shift_left3A_213 = arith.constant 1 : i32
      %shift_left3A_214 = vector.broadcast %shift_left3A_213 : i32 to vector<16xi32>
      %shift_left3A_215 = arith.shli %and3A_212, %shift_left3A_214 : vector<16xi32>
      %shift_right_arithmetic3A_216 = arith.constant 13 : i32
      %shift_right_arithmetic3A_217 = vector.broadcast %shift_right_arithmetic3A_216 : i32 to vector<16xi32>
      %shift_right_arithmetic3A_218 = arith.shrsi %get3A_202, %shift_right_arithmetic3A_217 : vector<16xi32>
      %and3A_219 = arith.constant 1 : i32
      %and3A_220 = vector.broadcast %and3A_219 : i32 to vector<16xi32>
      %and3A_221 = arith.andi %shift_right_arithmetic3A_218, %and3A_220 : vector<16xi32>
      %add3A_222 = arith.addi %shift_left3A_215, %and3A_221 : vector<16xi32>
      %mul3A_223 = arith.constant 16384 : i32
      %mul3A_224 = vector.broadcast %mul3A_223 : i32 to vector<16xi32>
      %mul3A_225 = arith.muli %add3A_209, %mul3A_224 : vector<16xi32>
      %add3A_226 = arith.addi %mul3A_225, %add3A_222 : vector<16xi32>
      %swap3A_227 = arith.index_cast %scan3A_22 : i32 to index
      %swap3A_228 = arith.constant 64 : index
      %swap3A_229 = tpu.vector_load %arg6[%swap3A_227, %swap3A_228] {strides = array<i32>} : memref<104x128xi32, #tpu.memory_space<vmem>>, vector<1x16xi32>,
      %swap3A_230 = vector.shape_cast %swap3A_229 : vector<1x16xi32> to vector<16xi32>
      %swap3A_231 = vector.shape_cast %add3A_226 : vector<16xi32> to vector<1x16xi32>
      tpu.vector_store %arg6[%swap3A_227, %swap3A_228], %swap3A_231 {strides = array<i32>} : memref<104x128xi32, #tpu.memory_space<vmem>>, vector<1x16xi32>,
      %mul3A_232 = arith.constant 128 : i32
      %mul3A_233 = arith.muli %scan3A_22, %mul3A_232 : i32
      %add3A_234 = arith.addi %mul3A_2, %mul3A_233 : i32
      %add3A_235 = arith.constant 80 : i32
      %add3A_236 = arith.addi %add3A_234, %add3A_235 : i32
      %add3A_237 = vector.broadcast %add3A_236 : i32 to vector<16xi32>
      %add3A_238 = arith.addi %add3A_237, %iota3A : vector<16xi32>
      %rem3A_239 = arith.constant 26 : i32
      %rem3A_240 = vector.broadcast %rem3A_239 : i32 to vector<16xi32>
      %rem3A_241 = arith.remsi %add3A_238, %rem3A_240 : vector<16xi32>
      %get3A_242 = arith.index_cast %scan3A_22 : i32 to index
      %get3A_243 = arith.constant 80 : index
      %get3A_244 = tpu.vector_load %arg5[%get3A_242, %get3A_243] {strides = array<i32>} : memref<104x128xi32, #tpu.memory_space<vmem>>, vector<1x16xi32>,
      %get3A_245 = vector.shape_cast %get3A_244 : vector<1x16xi32> to vector<16xi32>
      %mul3A_246 = arith.constant 7 : i32
      %mul3A_247 = vector.broadcast %mul3A_246 : i32 to vector<16xi32>
      %mul3A_248 = arith.muli %rem3A_241, %mul3A_247 : vector<16xi32>
      %shift_right_arithmetic3A_249 = arith.constant 14 : i32
      %shift_right_arithmetic3A_250 = vector.broadcast %shift_right_arithmetic3A_249 : i32 to vector<16xi32>
      %shift_right_arithmetic3A_251 = arith.shrsi %get3A_245, %shift_right_arithmetic3A_250 : vector<16xi32>
      %add3A_252 = arith.addi %mul3A_248, %shift_right_arithmetic3A_251 : vector<16xi32>
      %and3A_253 = arith.constant 8191 : i32
      %and3A_254 = vector.broadcast %and3A_253 : i32 to vector<16xi32>
      %and3A_255 = arith.andi %get3A_245, %and3A_254 : vector<16xi32>
      %shift_left3A_256 = arith.constant 1 : i32
      %shift_left3A_257 = vector.broadcast %shift_left3A_256 : i32 to vector<16xi32>
      %shift_left3A_258 = arith.shli %and3A_255, %shift_left3A_257 : vector<16xi32>
      %shift_right_arithmetic3A_259 = arith.constant 13 : i32
      %shift_right_arithmetic3A_260 = vector.broadcast %shift_right_arithmetic3A_259 : i32 to vector<16xi32>
      %shift_right_arithmetic3A_261 = arith.shrsi %get3A_245, %shift_right_arithmetic3A_260 : vector<16xi32>
      %and3A_262 = arith.constant 1 : i32
      %and3A_263 = vector.broadcast %and3A_262 : i32 to vector<16xi32>
      %and3A_264 = arith.andi %shift_right_arithmetic3A_261, %and3A_263 : vector<16xi32>
      %add3A_265 = arith.addi %shift_left3A_258, %and3A_264 : vector<16xi32>
      %mul3A_266 = arith.constant 16384 : i32
      %mul3A_267 = vector.broadcast %mul3A_266 : i32 to vector<16xi32>
      %mul3A_268 = arith.muli %add3A_252, %mul3A_267 : vector<16xi32>
      %add3A_269 = arith.addi %mul3A_268, %add3A_265 : vector<16xi32>
      %swap3A_270 = arith.index_cast %scan3A_22 : i32 to index
      %swap3A_271 = arith.constant 80 : index
      %swap3A_272 = tpu.vector_load %arg6[%swap3A_270, %swap3A_271] {strides = array<i32>} : memref<104x128xi32, #tpu.memory_space<vmem>>, vector<1x16xi32>,
      %swap3A_273 = vector.shape_cast %swap3A_272 : vector<1x16xi32> to vector<16xi32>
      %swap3A_274 = vector.shape_cast %add3A_269 : vector<16xi32> to vector<1x16xi32>
      tpu.vector_store %arg6[%swap3A_270, %swap3A_271], %swap3A_274 {strides = array<i32>} : memref<104x128xi32, #tpu.memory_space<vmem>>, vector<1x16xi32>,
      %mul3A_275 = arith.constant 128 : i32
      %mul3A_276 = arith.muli %scan3A_22, %mul3A_275 : i32
      %add3A_277 = arith.addi %mul3A_2, %mul3A_276 : i32
      %add3A_278 = arith.constant 96 : i32
      %add3A_279 = arith.addi %add3A_277, %add3A_278 : i32
      %add3A_280 = vector.broadcast %add3A_279 : i32 to vector<16xi32>
      %add3A_281 = arith.addi %add3A_280, %iota3A : vector<16xi32>
      %rem3A_282 = arith.constant 26 : i32
      %rem3A_283 = vector.broadcast %rem3A_282 : i32 to vector<16xi32>
      %rem3A_284 = arith.remsi %add3A_281, %rem3A_283 : vector<16xi32>
      %get3A_285 = arith.index_cast %scan3A_22 : i32 to index
      %get3A_286 = arith.constant 96 : index
      %get3A_287 = tpu.vector_load %arg5[%get3A_285, %get3A_286] {strides = array<i32>} : memref<104x128xi32, #tpu.memory_space<vmem>>, vector<1x16xi32>,
      %get3A_288 = vector.shape_cast %get3A_287 : vector<1x16xi32> to vector<16xi32>
      %mul3A_289 = arith.constant 7 : i32
      %mul3A_290 = vector.broadcast %mul3A_289 : i32 to vector<16xi32>
      %mul3A_291 = arith.muli %rem3A_284, %mul3A_290 : vector<16xi32>
      %shift_right_arithmetic3A_292 = arith.constant 14 : i32
      %shift_right_arithmetic3A_293 = vector.broadcast %shift_right_arithmetic3A_292 : i32 to vector<16xi32>
      %shift_right_arithmetic3A_294 = arith.shrsi %get3A_288, %shift_right_arithmetic3A_293 : vector<16xi32>
      %add3A_295 = arith.addi %mul3A_291, %shift_right_arithmetic3A_294 : vector<16xi32>
      %and3A_296 = arith.constant 8191 : i32
      %and3A_297 = vector.broadcast %and3A_296 : i32 to vector<16xi32>
      %and3A_298 = arith.andi %get3A_288, %and3A_297 : vector<16xi32>
      %shift_left3A_299 = arith.constant 1 : i32
      %shift_left3A_300 = vector.broadcast %shift_left3A_299 : i32 to vector<16xi32>
      %shift_left3A_301 = arith.shli %and3A_298, %shift_left3A_300 : vector<16xi32>
      %shift_right_arithmetic3A_302 = arith.constant 13 : i32
      %shift_right_arithmetic3A_303 = vector.broadcast %shift_right_arithmetic3A_302 : i32 to vector<16xi32>
      %shift_right_arithmetic3A_304 = arith.shrsi %get3A_288, %shift_right_arithmetic3A_303 : vector<16xi32>
      %and3A_305 = arith.constant 1 : i32
      %and3A_306 = vector.broadcast %and3A_305 : i32 to vector<16xi32>
      %and3A_307 = arith.andi %shift_right_arithmetic3A_304, %and3A_306 : vector<16xi32>
      %add3A_308 = arith.addi %shift_left3A_301, %and3A_307 : vector<16xi32>
      %mul3A_309 = arith.constant 16384 : i32
      %mul3A_310 = vector.broadcast %mul3A_309 : i32 to vector<16xi32>
      %mul3A_311 = arith.muli %add3A_295, %mul3A_310 : vector<16xi32>
      %add3A_312 = arith.addi %mul3A_311, %add3A_308 : vector<16xi32>
      %swap3A_313 = arith.index_cast %scan3A_22 : i32 to index
      %swap3A_314 = arith.constant 96 : index
      %swap3A_315 = tpu.vector_load %arg6[%swap3A_313, %swap3A_314] {strides = array<i32>} : memref<104x128xi32, #tpu.memory_space<vmem>>, vector<1x16xi32>,
      %swap3A_316 = vector.shape_cast %swap3A_315 : vector<1x16xi32> to vector<16xi32>
      %swap3A_317 = vector.shape_cast %add3A_312 : vector<16xi32> to vector<1x16xi32>
      tpu.vector_store %arg6[%swap3A_313, %swap3A_314], %swap3A_317 {strides = array<i32>} : memref<104x128xi32, #tpu.memory_space<vmem>>, vector<1x16xi32>,
      %mul3A_318 = arith.constant 128 : i32
      %mul3A_319 = arith.muli %scan3A_22, %mul3A_318 : i32
      %add3A_320 = arith.addi %mul3A_2, %mul3A_319 : i32
      %add3A_321 = arith.constant 112 : i32
      %add3A_322 = arith.addi %add3A_320, %add3A_321 : i32
      %add3A_323 = vector.broadcast %add3A_322 : i32 to vector<16xi32>
      %add3A_324 = arith.addi %add3A_323, %iota3A : vector<16xi32>
      %rem3A_325 = arith.constant 26 : i32
      %rem3A_326 = vector.broadcast %rem3A_325 : i32 to vector<16xi32>
      %rem3A_327 = arith.remsi %add3A_324, %rem3A_326 : vector<16xi32>
      %get3A_328 = arith.index_cast %scan3A_22 : i32 to index
      %get3A_329 = arith.constant 112 : index
      %get3A_330 = tpu.vector_load %arg5[%get3A_328, %get3A_329] {strides = array<i32>} : memref<104x128xi32, #tpu.memory_space<vmem>>, vector<1x16xi32>,
      %get3A_331 = vector.shape_cast %get3A_330 : vector<1x16xi32> to vector<16xi32>
      %mul3A_332 = arith.constant 7 : i32
      %mul3A_333 = vector.broadcast %mul3A_332 : i32 to vector<16xi32>
      %mul3A_334 = arith.muli %rem3A_327, %mul3A_333 : vector<16xi32>
      %shift_right_arithmetic3A_335 = arith.constant 14 : i32
      %shift_right_arithmetic3A_336 = vector.broadcast %shift_right_arithmetic3A_335 : i32 to vector<16xi32>
      %shift_right_arithmetic3A_337 = arith.shrsi %get3A_331, %shift_right_arithmetic3A_336 : vector<16xi32>
      %add3A_338 = arith.addi %mul3A_334, %shift_right_arithmetic3A_337 : vector<16xi32>
      %and3A_339 = arith.constant 8191 : i32
      %and3A_340 = vector.broadcast %and3A_339 : i32 to vector<16xi32>
      %and3A_341 = arith.andi %get3A_331, %and3A_340 : vector<16xi32>
      %shift_left3A_342 = arith.constant 1 : i32
      %shift_left3A_343 = vector.broadcast %shift_left3A_342 : i32 to vector<16xi32>
      %shift_left3A_344 = arith.shli %and3A_341, %shift_left3A_343 : vector<16xi32>
      %shift_right_arithmetic3A_345 = arith.constant 13 : i32
      %shift_right_arithmetic3A_346 = vector.broadcast %shift_right_arithmetic3A_345 : i32 to vector<16xi32>
      %shift_right_arithmetic3A_347 = arith.shrsi %get3A_331, %shift_right_arithmetic3A_346 : vector<16xi32>
      %and3A_348 = arith.constant 1 : i32
      %and3A_349 = vector.broadcast %and3A_348 : i32 to vector<16xi32>
      %and3A_350 = arith.andi %shift_right_arithmetic3A_347, %and3A_349 : vector<16xi32>
      %add3A_351 = arith.addi %shift_left3A_344, %and3A_350 : vector<16xi32>
      %mul3A_352 = arith.constant 16384 : i32
      %mul3A_353 = vector.broadcast %mul3A_352 : i32 to vector<16xi32>
      %mul3A_354 = arith.muli %add3A_338, %mul3A_353 : vector<16xi32>
      %add3A_355 = arith.addi %mul3A_354, %add3A_351 : vector<16xi32>
      %swap3A_356 = arith.index_cast %scan3A_22 : i32 to index
      %swap3A_357 = arith.constant 112 : index
      %swap3A_358 = tpu.vector_load %arg6[%swap3A_356, %swap3A_357] {strides = array<i32>} : memref<104x128xi32, #tpu.memory_space<vmem>>, vector<1x16xi32>,
      %swap3A_359 = vector.shape_cast %swap3A_358 : vector<1x16xi32> to vector<16xi32>
      %swap3A_360 = vector.shape_cast %add3A_355 : vector<16xi32> to vector<1x16xi32>
      tpu.vector_store %arg6[%swap3A_356, %swap3A_357], %swap3A_360 {strides = array<i32>} : memref<104x128xi32, #tpu.memory_space<vmem>>, vector<1x16xi32>,
    }
    %scan3A_9 = arith.constant 104 : i32
    %dma_start3A = arith.constant 0 : i32
    %dma_start3A_10 = arith.constant 0 : i32
    %dma_start3A_11 = tpu.memref_slice %arg6[%dma_start3A, %dma_start3A_10] : memref<104x128xi32, #tpu.memory_space<vmem>> -> memref<1x128xi32, #tpu.memory_space<vmem>>
    %dma_start3A_12 = tpu.memref_squeeze %dma_start3A_11 : memref<1x128xi32, #tpu.memory_space<vmem>> -> memref<128xi32, #tpu.memory_space<vmem>>
    %dma_start3A_13 = arith.constant 0 : i32
    %dma_start3A_14 = arith.constant 0 : i32
    %dma_start3A_15 = tpu.memref_slice %arg3[%dma_start3A_13, %dma_start3A_14] : memref<2981888x64xf32, #tpu.memory_space<hbm>> -> memref<2981888x64xf32, #tpu.memory_space<hbm>>
    tpu.enqueue_indirect_dma source(%dma_start3A_15 : memref<2981888x64xf32, #tpu.memory_space<hbm>>) target(%arg7 : memref<128x64xf32, #tpu.memory_space<vmem>>) offsets(%dma_start3A_12 : memref<128xi32, #tpu.memory_space<vmem>>) semaphore(%arg9 : memref<!tpu.dma_semaphore, #tpu.memory_space<semaphore_mem>>)
    %scan3A_16 = arith.constant 0 : i32
    %scan3A_17 = arith.constant 0 : i32
    %scan3A_18 = arith.constant 52 : i32
    %scan3A_19 = arith.addi %scan3A_17, %scan3A_18 : i32
    %scan3A_20 = arith.constant 1 : i32
    scf.for %scan3A_22 = %scan3A_17 to %scan3A_19 step %scan3A_20  : i32 {
      %mul3A_23 = arith.constant 2 : i32
      %mul3A_24 = arith.muli %mul3A_23, %scan3A_22 : i32
      %add3A_25 = arith.constant 1 : i32
      %add3A_26 = arith.addi %mul3A_24, %add3A_25 : i32
      %dma_start3A_27 = arith.constant 0 : i32
      %dma_start3A_28 = tpu.memref_slice %arg6[%add3A_26, %dma_start3A_27] : memref<104x128xi32, #tpu.memory_space<vmem>> -> memref<1x128xi32, #tpu.memory_space<vmem>>
      %dma_start3A_29 = tpu.memref_squeeze %dma_start3A_28 : memref<1x128xi32, #tpu.memory_space<vmem>> -> memref<128xi32, #tpu.memory_space<vmem>>
      %dma_start3A_30 = arith.constant 0 : i32
      %dma_start3A_31 = arith.constant 0 : i32
      %dma_start3A_32 = tpu.memref_slice %arg3[%dma_start3A_30, %dma_start3A_31] : memref<2981888x64xf32, #tpu.memory_space<hbm>> -> memref<2981888x64xf32, #tpu.memory_space<hbm>>
      tpu.enqueue_indirect_dma source(%dma_start3A_32 : memref<2981888x64xf32, #tpu.memory_space<hbm>>) target(%arg8 : memref<128x64xf32, #tpu.memory_space<vmem>>) offsets(%dma_start3A_29 : memref<128xi32, #tpu.memory_space<vmem>>) semaphore(%arg10 : memref<!tpu.dma_semaphore, #tpu.memory_space<semaphore_mem>>)
      %mul3A_33 = arith.constant 2 : i32
      %mul3A_34 = arith.muli %mul3A_33, %scan3A_22 : i32
      %dma_wait3A = arith.constant 0 : i32
      %dma_wait3A_35 = tpu.memref_slice %arg6[%mul3A_34, %dma_wait3A] : memref<104x128xi32, #tpu.memory_space<vmem>> -> memref<1x128xi32, #tpu.memory_space<vmem>>
      %dma_wait3A_36 = tpu.memref_squeeze %dma_wait3A_35 : memref<1x128xi32, #tpu.memory_space<vmem>> -> memref<128xi32, #tpu.memory_space<vmem>>
      %dma_wait3A_37 = arith.constant 0 : i32
      %dma_wait3A_38 = arith.constant 0 : i32
      %dma_wait3A_39 = tpu.memref_slice %arg3[%dma_wait3A_37, %dma_wait3A_38] : memref<2981888x64xf32, #tpu.memory_space<hbm>> -> memref<2981888x64xf32, #tpu.memory_space<hbm>>
      tpu.wait_indirect_dma semaphore(%arg9 : memref<!tpu.dma_semaphore, #tpu.memory_space<semaphore_mem>>) src(%dma_wait3A_39 : memref<2981888x64xf32, #tpu.memory_space<hbm>>) dst(%arg7 : memref<128x64xf32, #tpu.memory_space<vmem>>)
      %mul3A_40 = arith.constant 128 : i32
      %mul3A_41 = arith.muli %mul3A_34, %mul3A_40 : i32
      %add3A_42 = arith.addi %mul3A_2, %mul3A_41 : i32
      "tpu.region"() ({
        %run_scoped3A = tpu.sem_alloc : memref<!tpu.dma_semaphore, #tpu.memory_space<semaphore_mem>>
        %dma_start3A_60 = arith.constant 0 : i32
        %dma_start3A_61 = tpu.memref_slice %arg4[%add3A_42, %dma_start3A_60] : memref<425984x64xf32, #tpu.memory_space<hbm>> -> memref<128x64xf32, #tpu.memory_space<hbm>>
        %dma_start3A_62 = arith.constant 0 : i32
        %dma_start3A_63 = tpu.memref_slice %arg4[%add3A_42, %dma_start3A_62] : memref<425984x64xf32, #tpu.memory_space<hbm>> -> memref<128x64xf32, #tpu.memory_space<hbm>>
        tpu.enqueue_dma source(%arg7 : memref<128x64xf32, #tpu.memory_space<vmem>>) target(%dma_start3A_63 : memref<128x64xf32, #tpu.memory_space<hbm>>) target_semaphore(%run_scoped3A : memref<!tpu.dma_semaphore, #tpu.memory_space<semaphore_mem>>)
        %dma_wait3A_64 = arith.constant 0 : i32
        %dma_wait3A_65 = tpu.memref_slice %arg4[%add3A_42, %dma_wait3A_64] : memref<425984x64xf32, #tpu.memory_space<hbm>> -> memref<128x64xf32, #tpu.memory_space<hbm>>
        %dma_wait3A_66 = arith.constant 0 : i32
        %dma_wait3A_67 = tpu.memref_slice %arg4[%add3A_42, %dma_wait3A_66] : memref<425984x64xf32, #tpu.memory_space<hbm>> -> memref<128x64xf32, #tpu.memory_space<hbm>>
        tpu.wait_dma2 semaphore(%run_scoped3A : memref<!tpu.dma_semaphore, #tpu.memory_space<semaphore_mem>>) src(%arg7 : memref<128x64xf32, #tpu.memory_space<vmem>>) dst(%dma_wait3A_67 : memref<128x64xf32, #tpu.memory_space<hbm>>)
        tpu.yield
      }) : () -> ()
      %add3A_43 = arith.constant 1 : i32
      %add3A_44 = arith.addi %scan3A_22, %add3A_43 : i32
      %lt3A = arith.constant 52 : i32
      %lt3A_45 = arith.cmpi slt, %add3A_44, %lt3A : i32
      %convert_element_type3A = arith.extui %lt3A_45 : i1 to i32
      %cond3A = arith.constant 0 : i32
      %cond3A_46 = arith.cmpi ne, %convert_element_type3A, %cond3A : i32
      scf.if %cond3A_46 {
        %mul3A_60 = arith.constant 2 : i32
        %mul3A_61 = arith.muli %mul3A_60, %scan3A_22 : i32
        %add3A_62 = arith.constant 2 : i32
        %add3A_63 = arith.addi %mul3A_61, %add3A_62 : i32
        %dma_start3A_64 = arith.constant 0 : i32
        %dma_start3A_65 = tpu.memref_slice %arg6[%add3A_63, %dma_start3A_64] : memref<104x128xi32, #tpu.memory_space<vmem>> -> memref<1x128xi32, #tpu.memory_space<vmem>>
        %dma_start3A_66 = tpu.memref_squeeze %dma_start3A_65 : memref<1x128xi32, #tpu.memory_space<vmem>> -> memref<128xi32, #tpu.memory_space<vmem>>
        %dma_start3A_67 = arith.constant 0 : i32
        %dma_start3A_68 = arith.constant 0 : i32
        %dma_start3A_69 = tpu.memref_slice %arg3[%dma_start3A_67, %dma_start3A_68] : memref<2981888x64xf32, #tpu.memory_space<hbm>> -> memref<2981888x64xf32, #tpu.memory_space<hbm>>
        tpu.enqueue_indirect_dma source(%dma_start3A_69 : memref<2981888x64xf32, #tpu.memory_space<hbm>>) target(%arg7 : memref<128x64xf32, #tpu.memory_space<vmem>>) offsets(%dma_start3A_66 : memref<128xi32, #tpu.memory_space<vmem>>) semaphore(%arg9 : memref<!tpu.dma_semaphore, #tpu.memory_space<semaphore_mem>>)
      } else {
      }
      %mul3A_47 = arith.constant 2 : i32
      %mul3A_48 = arith.muli %mul3A_47, %scan3A_22 : i32
      %add3A_49 = arith.constant 1 : i32
      %add3A_50 = arith.addi %mul3A_48, %add3A_49 : i32
      %dma_wait3A_51 = arith.constant 0 : i32
      %dma_wait3A_52 = tpu.memref_slice %arg6[%add3A_50, %dma_wait3A_51] : memref<104x128xi32, #tpu.memory_space<vmem>> -> memref<1x128xi32, #tpu.memory_space<vmem>>
      %dma_wait3A_53 = tpu.memref_squeeze %dma_wait3A_52 : memref<1x128xi32, #tpu.memory_space<vmem>> -> memref<128xi32, #tpu.memory_space<vmem>>
      %dma_wait3A_54 = arith.constant 0 : i32
      %dma_wait3A_55 = arith.constant 0 : i32
      %dma_wait3A_56 = tpu.memref_slice %arg3[%dma_wait3A_54, %dma_wait3A_55] : memref<2981888x64xf32, #tpu.memory_space<hbm>> -> memref<2981888x64xf32, #tpu.memory_space<hbm>>
      tpu.wait_indirect_dma semaphore(%arg10 : memref<!tpu.dma_semaphore, #tpu.memory_space<semaphore_mem>>) src(%dma_wait3A_56 : memref<2981888x64xf32, #tpu.memory_space<hbm>>) dst(%arg8 : memref<128x64xf32, #tpu.memory_space<vmem>>)
      %mul3A_57 = arith.constant 128 : i32
      %mul3A_58 = arith.muli %add3A_50, %mul3A_57 : i32
      %add3A_59 = arith.addi %mul3A_2, %mul3A_58 : i32
      "tpu.region"() ({
        %run_scoped3A = tpu.sem_alloc : memref<!tpu.dma_semaphore, #tpu.memory_space<semaphore_mem>>
        %dma_start3A_60 = arith.constant 0 : i32
        %dma_start3A_61 = tpu.memref_slice %arg4[%add3A_59, %dma_start3A_60] : memref<425984x64xf32, #tpu.memory_space<hbm>> -> memref<128x64xf32, #tpu.memory_space<hbm>>
        %dma_start3A_62 = arith.constant 0 : i32
        %dma_start3A_63 = tpu.memref_slice %arg4[%add3A_59, %dma_start3A_62] : memref<425984x64xf32, #tpu.memory_space<hbm>> -> memref<128x64xf32, #tpu.memory_space<hbm>>
        tpu.enqueue_dma source(%arg8 : memref<128x64xf32, #tpu.memory_space<vmem>>) target(%dma_start3A_63 : memref<128x64xf32, #tpu.memory_space<hbm>>) target_semaphore(%run_scoped3A : memref<!tpu.dma_semaphore, #tpu.memory_space<semaphore_mem>>)
        %dma_wait3A_64 = arith.constant 0 : i32
        %dma_wait3A_65 = tpu.memref_slice %arg4[%add3A_59, %dma_wait3A_64] : memref<425984x64xf32, #tpu.memory_space<hbm>> -> memref<128x64xf32, #tpu.memory_space<hbm>>
        %dma_wait3A_66 = arith.constant 0 : i32
        %dma_wait3A_67 = tpu.memref_slice %arg4[%add3A_59, %dma_wait3A_66] : memref<425984x64xf32, #tpu.memory_space<hbm>> -> memref<128x64xf32, #tpu.memory_space<hbm>>
        tpu.wait_dma2 semaphore(%run_scoped3A : memref<!tpu.dma_semaphore, #tpu.memory_space<semaphore_mem>>) src(%arg8 : memref<128x64xf32, #tpu.memory_space<vmem>>) dst(%dma_wait3A_67 : memref<128x64xf32, #tpu.memory_space<hbm>>)
        tpu.yield
      }) : () -> ()
    }
    %scan3A_21 = arith.constant 52 : i32
    return
  }
}

module attributes {stable_mosaic.version = 14 : i64} {
  func.func @_fmt_body(%arg0: i32, %arg1: i32, %arg2: memref<1x50x16384xf32, #tpu.memory_space<vmem>>, %arg3: memref<1024x8x128xf32, #tpu.memory_space<vmem>>) attributes {dimension_semantics = [#tpu.dimension_semantics<arbitrary>, #tpu.dimension_semantics<arbitrary>], iteration_bounds = array<i64: 26, 7>, scalar_prefetch = 0 : i64, scratch_operands = 0 : i64, tpu.core_type = #tpu.core_type<tc>, window_params = [{transform_indices = @transform_0, window_bounds = array<i64: 1, 50, 16384>}, {transform_indices = @transform_1, window_bounds = array<i64: 1024, 8, 128>}]} {
    %get3A = arith.constant 0 : index
    %get3A_0 = arith.constant 0 : index
    %get3A_1 = arith.constant 0 : index
    %get3A_2 = vector.load %arg2[%get3A, %get3A_0, %get3A_1] : memref<1x50x16384xf32, #tpu.memory_space<vmem>>, vector<1x50x16384xf32>
    %get3A_3 = vector.shape_cast %get3A_2 : vector<1x50x16384xf32> to vector<50x16384xf32>
    %slice3A = vector.extract_strided_slice %get3A_3 {offsets = [0, 0], sizes = [50, 8192], strides = [1, 1]} : vector<50x16384xf32> to vector<50x8192xf32>
    %transpose3A = tpu.transpose %slice3A, [1, 0] : vector<50x8192xf32> -> vector<8192x50xf32>
    %slice3A_4 = vector.extract_strided_slice %get3A_3 {offsets = [0, 8192], sizes = [50, 8192], strides = [1, 1]} : vector<50x16384xf32> to vector<50x8192xf32>
    %transpose3A_5 = tpu.transpose %slice3A_4, [1, 0] : vector<50x8192xf32> -> vector<8192x50xf32>
    %broadcast_in_dim3A = arith.constant 0.000000e+00 : f32
    %broadcast_in_dim3A_6 = vector.broadcast %broadcast_in_dim3A : f32 to vector<8192x14xf32>
    %concatenate3A = tpu.concatenate %transpose3A, %broadcast_in_dim3A_6, %transpose3A_5, %broadcast_in_dim3A_6 in 1 : vector<8192x50xf32>, vector<8192x14xf32>, vector<8192x50xf32>, vector<8192x14xf32> -> vector<8192x128xf32>
    %reshape3A = vector.shape_cast %concatenate3A : vector<8192x128xf32> to vector<1024x8x128xf32>
    %swap3A = arith.constant 0 : index
    %swap3A_7 = arith.constant 0 : index
    %swap3A_8 = arith.constant 0 : index
    %swap3A_9 = vector.load %arg3[%swap3A, %swap3A_7, %swap3A_8] : memref<1024x8x128xf32, #tpu.memory_space<vmem>>, vector<1024x8x128xf32>
    tpu.vector_store %arg3[%swap3A, %swap3A_7, %swap3A_8], %reshape3A {strides = array<i32>} : memref<1024x8x128xf32, #tpu.memory_space<vmem>>, vector<1024x8x128xf32>,
    return
  }
  func.func @transform_0(%arg0: i32, %arg1: i32) -> (i32, i32, i32) {
    %c0_i32 = arith.constant 0 : i32
    %c0_i32_0 = arith.constant 0 : i32
    return %arg0, %c0_i32, %arg1 : i32, i32, i32
  }
  func.func @transform_1(%arg0: i32, %arg1: i32) -> (i32, i32, i32) {
    %mul3A = arith.constant 7 : i32
    %mul3A_0 = arith.muli %arg0, %mul3A : i32
    %add3A = arith.addi %mul3A_0, %arg1 : i32
    %c0_i32 = arith.constant 0 : i32
    %c0_i32_1 = arith.constant 0 : i32
    %c0_i32_2 = arith.constant 0 : i32
    return %add3A, %c0_i32, %c0_i32_1 : i32, i32, i32
  }
}

module attributes {stable_mosaic.version = 14 : i64} {
  func.func @_p1_body(%arg0: i32, %arg1: memref<1024x1664xf32, #tpu.memory_space<vmem>>, %arg2: memref<1024x13xf32, #tpu.memory_space<vmem>>, %arg3: memref<1664x1024xbf16, #tpu.memory_space<vmem>>, %arg4: memref<13x1024xf32, #tpu.memory_space<vmem>>, %arg5: memref<1x1024xf32, #tpu.memory_space<vmem>>, %arg6: memref<1024x1024xf32, #tpu.memory_space<vmem>>, %arg7: memref<2x1024xf32, #tpu.memory_space<vmem>>) attributes {dimension_semantics = [#tpu.dimension_semantics<arbitrary>], iteration_bounds = array<i64: 16>, scalar_prefetch = 0 : i64, scratch_operands = 0 : i64, tpu.core_type = #tpu.core_type<tc>, window_params = [{transform_indices = @transform_0, window_bounds = array<i64: 1024, 1664>}, {transform_indices = @transform_1, window_bounds = array<i64: 1024, 13>}, {pipeline_mode = #tpu.pipeline_mode<synchronous>, transform_indices = @transform_2, window_bounds = array<i64: 1664, 1024>}, {pipeline_mode = #tpu.pipeline_mode<synchronous>, transform_indices = @transform_3, window_bounds = array<i64: 13, 1024>}, {pipeline_mode = #tpu.pipeline_mode<synchronous>, transform_indices = @transform_4, window_bounds = array<i64: 1, 1024>}, {transform_indices = @transform_5, window_bounds = array<i64: 1024, 1024>}, {pipeline_mode = #tpu.pipeline_mode<synchronous>, transform_indices = @transform_6, window_bounds = array<i64: 2, 1024>}]} {
    %get3A = arith.constant 0 : index
    %get3A_0 = arith.constant 0 : index
    %get3A_1 = vector.load %arg1[%get3A, %get3A_0] : memref<1024x1664xf32, #tpu.memory_space<vmem>>, vector<1024x1664xf32>
    %convert_element_type3A = arith.truncf %get3A_1 : vector<1024x1664xf32> to vector<1024x1664xbf16>
    %get3A_2 = arith.constant 0 : index
    %get3A_3 = arith.constant 0 : index
    %get3A_4 = vector.load %arg3[%get3A_2, %get3A_3] : memref<1664x1024xbf16, #tpu.memory_space<vmem>>, vector<1664x1024xbf16>
    %dot_general3A = arith.constant dense<0.000000e+00> : vector<1024x1024xf32>
    %dot_general3A_5 = tpu.matmul %convert_element_type3A, %get3A_4, %dot_general3A {dimension_numbers = #tpu.dot_dimension_numbers<[1], [0], [0], [1], [0, 0, 1, 1], [], []>, transpose_lhs_hint = false} : vector<1024x1664xbf16>, vector<1664x1024xbf16>, vector<1024x1024xf32> -> vector<1024x1024xf32>
    %get3A_6 = arith.constant 0 : index
    %get3A_7 = arith.constant 0 : index
    %get3A_8 = vector.load %arg2[%get3A_6, %get3A_7] : memref<1024x13xf32, #tpu.memory_space<vmem>>, vector<1024x13xf32>
    %get3A_9 = arith.constant 0 : index
    %get3A_10 = arith.constant 0 : index
    %get3A_11 = vector.load %arg4[%get3A_9, %get3A_10] : memref<13x1024xf32, #tpu.memory_space<vmem>>, vector<13x1024xf32>
    %dot_general3A_12 = arith.constant dense<0.000000e+00> : vector<1024x1024xf32>
    %dot_general3A_13 = tpu.matmul %get3A_8, %get3A_11, %dot_general3A_12 {dimension_numbers = #tpu.dot_dimension_numbers<[1], [0], [0], [1], [0, 0, 1, 1], [], []>, transpose_lhs_hint = false} : vector<1024x13xf32>, vector<13x1024xf32>, vector<1024x1024xf32> -> vector<1024x1024xf32>
    %add3A = arith.addf %dot_general3A_5, %dot_general3A_13 : vector<1024x1024xf32>
    %get3A_14 = arith.constant 0 : index
    %get3A_15 = arith.constant 0 : index
    %get3A_16 = vector.load %arg5[%get3A_14, %get3A_15] : memref<1x1024xf32, #tpu.memory_space<vmem>>, vector<1x1024xf32>
    %add3A_17 = vector.broadcast %get3A_16 : vector<1x1024xf32> to vector<1024x1024xf32>
    %add3A_18 = arith.addf %add3A, %add3A_17 : vector<1024x1024xf32>
    %swap3A = arith.constant 0 : index
    %swap3A_19 = arith.constant 0 : index
    %swap3A_20 = vector.load %arg6[%swap3A, %swap3A_19] : memref<1024x1024xf32, #tpu.memory_space<vmem>>, vector<1024x1024xf32>
    tpu.vector_store %arg6[%swap3A, %swap3A_19], %add3A_18 {strides = array<i32>} : memref<1024x1024xf32, #tpu.memory_space<vmem>>, vector<1024x1024xf32>,
    %eq3A = arith.constant 0 : i32
    %eq3A_21 = arith.cmpi eq, %arg0, %eq3A : i32
    %convert_element_type3A_22 = arith.extui %eq3A_21 : i1 to i32
    %cond3A = arith.constant 0 : i32
    %cond3A_23 = arith.cmpi ne, %convert_element_type3A_22, %cond3A : i32
    scf.if %cond3A_23 {
      %broadcast_in_dim3A_42 = arith.constant 0.000000e+00 : f32
      %broadcast_in_dim3A_43 = vector.broadcast %broadcast_in_dim3A_42 : f32 to vector<2x1024xf32>
      %swap3A_44 = arith.constant 0 : index
      %swap3A_45 = arith.constant 0 : index
      %swap3A_46 = vector.load %arg7[%swap3A_44, %swap3A_45] : memref<2x1024xf32, #tpu.memory_space<vmem>>, vector<2x1024xf32>
      tpu.vector_store %arg7[%swap3A_44, %swap3A_45], %broadcast_in_dim3A_43 {strides = array<i32>} : memref<2x1024xf32, #tpu.memory_space<vmem>>, vector<2x1024xf32>,
    } else {
    }
    %get3A_24 = arith.constant 0 : index
    %get3A_25 = arith.constant 0 : index
    %get3A_26 = vector.load %arg7[%get3A_24, %get3A_25] : memref<2x1024xf32, #tpu.memory_space<vmem>>, vector<1x1024xf32>
    %reduce_sum3A = arith.constant dense<0.000000e+00> : vector<1024xf32>
    %reduce_sum3A_27 = vector.multi_reduction <add>, %add3A_18, %reduce_sum3A [0] : vector<1024x1024xf32> to vector<1024xf32>
    %broadcast_in_dim3A = vector.shape_cast %reduce_sum3A_27 : vector<1024xf32> to vector<1x1024xf32>
    %add3A_28 = arith.addf %get3A_26, %broadcast_in_dim3A : vector<1x1024xf32>
    %swap3A_29 = arith.constant 0 : index
    %swap3A_30 = arith.constant 0 : index
    %swap3A_31 = vector.load %arg7[%swap3A_29, %swap3A_30] : memref<2x1024xf32, #tpu.memory_space<vmem>>, vector<1x1024xf32>
    tpu.vector_store %arg7[%swap3A_29, %swap3A_30], %add3A_28 {strides = array<i32>} : memref<2x1024xf32, #tpu.memory_space<vmem>>, vector<1x1024xf32>,
    %get3A_32 = arith.constant 1 : index
    %get3A_33 = arith.constant 0 : index
    %get3A_34 = vector.load %arg7[%get3A_32, %get3A_33] : memref<2x1024xf32, #tpu.memory_space<vmem>>, vector<1x1024xf32>
    %mul3A = arith.mulf %add3A_18, %add3A_18 : vector<1024x1024xf32>
    %reduce_sum3A_35 = arith.constant dense<0.000000e+00> : vector<1024xf32>
    %reduce_sum3A_36 = vector.multi_reduction <add>, %mul3A, %reduce_sum3A_35 [0] : vector<1024x1024xf32> to vector<1024xf32>
    %broadcast_in_dim3A_37 = vector.shape_cast %reduce_sum3A_36 : vector<1024xf32> to vector<1x1024xf32>
    %add3A_38 = arith.addf %get3A_34, %broadcast_in_dim3A_37 : vector<1x1024xf32>
    %swap3A_39 = arith.constant 1 : index
    %swap3A_40 = arith.constant 0 : index
    %swap3A_41 = vector.load %arg7[%swap3A_39, %swap3A_40] : memref<2x1024xf32, #tpu.memory_space<vmem>>, vector<1x1024xf32>
    tpu.vector_store %arg7[%swap3A_39, %swap3A_40], %add3A_38 {strides = array<i32>} : memref<2x1024xf32, #tpu.memory_space<vmem>>, vector<1x1024xf32>,
    return
  }
  func.func @transform_0(%arg0: i32) -> (i32, i32) {
    %c0_i32 = arith.constant 0 : i32
    %c0_i32_0 = arith.constant 0 : i32
    return %arg0, %c0_i32 : i32, i32
  }
  func.func @transform_1(%arg0: i32) -> (i32, i32) {
    %c0_i32 = arith.constant 0 : i32
    %c0_i32_0 = arith.constant 0 : i32
    return %arg0, %c0_i32 : i32, i32
  }
  func.func @transform_2(%arg0: i32) -> (i32, i32) {
    %c0_i32 = arith.constant 0 : i32
    %c0_i32_0 = arith.constant 0 : i32
    %c0_i32_1 = arith.constant 0 : i32
    return %c0_i32, %c0_i32_0 : i32, i32
  }
  func.func @transform_3(%arg0: i32) -> (i32, i32) {
    %c0_i32 = arith.constant 0 : i32
    %c0_i32_0 = arith.constant 0 : i32
    %c0_i32_1 = arith.constant 0 : i32
    return %c0_i32, %c0_i32_0 : i32, i32
  }
  func.func @transform_4(%arg0: i32) -> (i32, i32) {
    %c0_i32 = arith.constant 0 : i32
    %c0_i32_0 = arith.constant 0 : i32
    %c0_i32_1 = arith.constant 0 : i32
    return %c0_i32, %c0_i32_0 : i32, i32
  }
  func.func @transform_5(%arg0: i32) -> (i32, i32) {
    %c0_i32 = arith.constant 0 : i32
    %c0_i32_0 = arith.constant 0 : i32
    return %arg0, %c0_i32 : i32, i32
  }
  func.func @transform_6(%arg0: i32) -> (i32, i32) {
    %c0_i32 = arith.constant 0 : i32
    %c0_i32_0 = arith.constant 0 : i32
    %c0_i32_1 = arith.constant 0 : i32
    return %c0_i32, %c0_i32_0 : i32, i32
  }
}

module attributes {stable_mosaic.version = 14 : i64} {
  func.func @_p23_body(%arg0: i32, %arg1: memref<1024x1024xf32, #tpu.memory_space<vmem>>, %arg2: memref<2x1024xf32, #tpu.memory_space<vmem>>, %arg3: memref<1x1024xf32, #tpu.memory_space<vmem>>, %arg4: memref<1x1024xf32, #tpu.memory_space<vmem>>, %arg5: memref<1024x512xbf16, #tpu.memory_space<vmem>>, %arg6: memref<1x512xf32, #tpu.memory_space<vmem>>, %arg7: memref<1x512xf32, #tpu.memory_space<vmem>>, %arg8: memref<1x512xf32, #tpu.memory_space<vmem>>, %arg9: memref<512x1xf32, #tpu.memory_space<vmem>>, %arg10: memref<1x1xf32, #tpu.memory_space<vmem>>, %arg11: memref<1024x1xf32, #tpu.memory_space<vmem>>, %arg12: memref<16384x512xbf16, #tpu.memory_space<vmem>>, %arg13: memref<2x512xf32, #tpu.memory_space<vmem>>) attributes {dimension_semantics = [#tpu.dimension_semantics<arbitrary>], iteration_bounds = array<i64: 32>, scalar_prefetch = 0 : i64, scratch_operands = 2 : i64, tpu.core_type = #tpu.core_type<tc>, window_params = [{transform_indices = @transform_0, window_bounds = array<i64: 1024, 1024>}, {pipeline_mode = #tpu.pipeline_mode<synchronous>, transform_indices = @transform_1, window_bounds = array<i64: 2, 1024>}, {pipeline_mode = #tpu.pipeline_mode<synchronous>, transform_indices = @transform_2, window_bounds = array<i64: 1, 1024>}, {pipeline_mode = #tpu.pipeline_mode<synchronous>, transform_indices = @transform_3, window_bounds = array<i64: 1, 1024>}, {pipeline_mode = #tpu.pipeline_mode<synchronous>, transform_indices = @transform_4, window_bounds = array<i64: 1024, 512>}, {pipeline_mode = #tpu.pipeline_mode<synchronous>, transform_indices = @transform_5, window_bounds = array<i64: 1, 512>}, {pipeline_mode = #tpu.pipeline_mode<synchronous>, transform_indices = @transform_6, window_bounds = array<i64: 1, 512>}, {pipeline_mode = #tpu.pipeline_mode<synchronous>, transform_indices = @transform_7, window_bounds = array<i64: 1, 512>}, {pipeline_mode = #tpu.pipeline_mode<synchronous>, transform_indices = @transform_8, window_bounds = array<i64: 512, 1>}, {pipeline_mode = #tpu.pipeline_mode<synchronous>, transform_indices = @transform_9, window_bounds = array<i64: 1, 1>}, {transform_indices = @transform_10, window_bounds = array<i64: 1024, 1>}]} {
    %rem3A = arith.constant 16 : i32
    %rem3A_0 = arith.remsi %arg0, %rem3A : i32
    %mul3A = arith.constant 1024 : i32
    %mul3A_1 = arith.muli %rem3A_0, %mul3A : i32
    %lt3A = arith.constant 16 : i32
    %lt3A_2 = arith.cmpi slt, %arg0, %lt3A : i32
    %convert_element_type3A = arith.extui %lt3A_2 : i1 to i32
    %cond3A = arith.constant 0 : i32
    %cond3A_3 = arith.cmpi ne, %convert_element_type3A, %cond3A : i32
    scf.if %cond3A_3 {
      %get3A = arith.constant 0 : index
      %get3A_8 = arith.constant 0 : index
      %get3A_9 = vector.load %arg1[%get3A, %get3A_8] : memref<1024x1024xf32, #tpu.memory_space<vmem>>, vector<1024x1024xf32>
      %get3A_10 = arith.constant 0 : index
      %get3A_11 = arith.constant 0 : index
      %get3A_12 = vector.load %arg2[%get3A_10, %get3A_11] : memref<2x1024xf32, #tpu.memory_space<vmem>>, vector<2x1024xf32>
      %get3A_13 = arith.constant 0 : index
      %get3A_14 = arith.constant 0 : index
      %get3A_15 = vector.load %arg3[%get3A_13, %get3A_14] : memref<1x1024xf32, #tpu.memory_space<vmem>>, vector<1x1024xf32>
      %get3A_16 = arith.constant 0 : index
      %get3A_17 = arith.constant 0 : index
      %get3A_18 = vector.load %arg4[%get3A_16, %get3A_17] : memref<1x1024xf32, #tpu.memory_space<vmem>>, vector<1x1024xf32>
      %slice3A = vector.extract_strided_slice %get3A_12 {offsets = [0, 0], sizes = [1, 1024], strides = [1, 1]} : vector<2x1024xf32> to vector<1x1024xf32>
      %slice3A_19 = vector.extract_strided_slice %get3A_12 {offsets = [1, 0], sizes = [1, 1024], strides = [1, 1]} : vector<2x1024xf32> to vector<1x1024xf32>
      %mul3A_20 = arith.constant 6.10351563E-5 : f32
      %mul3A_21 = vector.broadcast %mul3A_20 : f32 to vector<1x1024xf32>
      %mul3A_22 = arith.mulf %slice3A, %mul3A_21 : vector<1x1024xf32>
      %mul3A_23 = arith.constant 6.10351563E-5 : f32
      %mul3A_24 = vector.broadcast %mul3A_23 : f32 to vector<1x1024xf32>
      %mul3A_25 = arith.mulf %slice3A_19, %mul3A_24 : vector<1x1024xf32>
      %mul3A_26 = arith.mulf %mul3A_22, %mul3A_22 : vector<1x1024xf32>
      %sub3A = arith.subf %mul3A_25, %mul3A_26 : vector<1x1024xf32>
      %add3A = arith.constant 9.99999974E-6 : f32
      %add3A_27 = vector.broadcast %add3A : f32 to vector<1x1024xf32>
      %add3A_28 = arith.addf %sub3A, %add3A_27 : vector<1x1024xf32>
      %rsqrt3A = math.rsqrt %add3A_28 : vector<1x1024xf32>
      %sub3A_29 = vector.broadcast %mul3A_22 : vector<1x1024xf32> to vector<1024x1024xf32>
      %sub3A_30 = arith.subf %get3A_9, %sub3A_29 : vector<1024x1024xf32>
      %mul3A_31 = arith.mulf %rsqrt3A, %get3A_15 : vector<1x1024xf32>
      %mul3A_32 = vector.broadcast %mul3A_31 : vector<1x1024xf32> to vector<1024x1024xf32>
      %mul3A_33 = arith.mulf %sub3A_30, %mul3A_32 : vector<1024x1024xf32>
      %add3A_34 = vector.broadcast %get3A_18 : vector<1x1024xf32> to vector<1024x1024xf32>
      %add3A_35 = arith.addf %mul3A_33, %add3A_34 : vector<1024x1024xf32>
      %mul3A_36 = arith.constant 5.000000e-01 : f32
      %mul3A_37 = vector.broadcast %mul3A_36 : f32 to vector<1024x1024xf32>
      %mul3A_38 = arith.mulf %mul3A_37, %add3A_35 : vector<1024x1024xf32>
      %mul3A_39 = arith.constant 0.707106769 : f32
      %mul3A_40 = vector.broadcast %mul3A_39 : f32 to vector<1024x1024xf32>
      %mul3A_41 = arith.mulf %add3A_35, %mul3A_40 : vector<1024x1024xf32>
      %erf3A = math.erf %mul3A_41 : vector<1024x1024xf32>
      %add3A_42 = arith.constant 1.000000e+00 : f32
      %add3A_43 = vector.broadcast %add3A_42 : f32 to vector<1024x1024xf32>
      %add3A_44 = arith.addf %add3A_43, %erf3A : vector<1024x1024xf32>
      %mul3A_45 = arith.mulf %mul3A_38, %add3A_44 : vector<1024x1024xf32>
      %convert_element_type3A_46 = arith.truncf %mul3A_45 : vector<1024x1024xf32> to vector<1024x1024xbf16>
      %get3A_47 = arith.constant 0 : index
      %get3A_48 = arith.constant 0 : index
      %get3A_49 = vector.load %arg5[%get3A_47, %get3A_48] : memref<1024x512xbf16, #tpu.memory_space<vmem>>, vector<1024x512xbf16>
      %dot_general3A = arith.constant dense<0.000000e+00> : vector<1024x512xf32>
      %dot_general3A_50 = tpu.matmul %convert_element_type3A_46, %get3A_49, %dot_general3A {dimension_numbers = #tpu.dot_dimension_numbers<[1], [0], [0], [1], [0, 0, 1, 1], [], []>, transpose_lhs_hint = false} : vector<1024x1024xbf16>, vector<1024x512xbf16>, vector<1024x512xf32> -> vector<1024x512xf32>
      %get3A_51 = arith.constant 0 : index
      %get3A_52 = arith.constant 0 : index
      %get3A_53 = vector.load %arg6[%get3A_51, %get3A_52] : memref<1x512xf32, #tpu.memory_space<vmem>>, vector<1x512xf32>
      %add3A_54 = vector.broadcast %get3A_53 : vector<1x512xf32> to vector<1024x512xf32>
      %add3A_55 = arith.addf %dot_general3A_50, %add3A_54 : vector<1024x512xf32>
      %convert_element_type3A_56 = arith.truncf %add3A_55 : vector<1024x512xf32> to vector<1024x512xbf16>
      %swap3A = arith.index_cast %mul3A_1 : i32 to index
      %swap3A_57 = arith.constant 0 : index
      %swap3A_58 = vector.load %arg12[%swap3A, %swap3A_57] : memref<16384x512xbf16, #tpu.memory_space<vmem>>, vector<1024x512xbf16>
      tpu.vector_store %arg12[%swap3A, %swap3A_57], %convert_element_type3A_56 {strides = array<i32>} : memref<16384x512xbf16, #tpu.memory_space<vmem>>, vector<1024x512xbf16>,
      %eq3A = arith.constant 0 : i32
      %eq3A_59 = arith.cmpi eq, %arg0, %eq3A : i32
      %convert_element_type3A_60 = arith.extui %eq3A_59 : i1 to i32
      %cond3A_61 = arith.constant 0 : i32
      %cond3A_62 = arith.cmpi ne, %convert_element_type3A_60, %cond3A_61 : i32
      scf.if %cond3A_62 {
        %broadcast_in_dim3A_82 = arith.constant 0.000000e+00 : f32
        %broadcast_in_dim3A_83 = vector.broadcast %broadcast_in_dim3A_82 : f32 to vector<2x512xf32>
        %swap3A_84 = arith.constant 0 : index
        %swap3A_85 = arith.constant 0 : index
        %swap3A_86 = vector.load %arg13[%swap3A_84, %swap3A_85] : memref<2x512xf32, #tpu.memory_space<vmem>>, vector<2x512xf32>
        tpu.vector_store %arg13[%swap3A_84, %swap3A_85], %broadcast_in_dim3A_83 {strides = array<i32>} : memref<2x512xf32, #tpu.memory_space<vmem>>, vector<2x512xf32>,
      } else {
      }
      %get3A_63 = arith.constant 0 : index
      %get3A_64 = arith.constant 0 : index
      %get3A_65 = vector.load %arg13[%get3A_63, %get3A_64] : memref<2x512xf32, #tpu.memory_space<vmem>>, vector<1x512xf32>
      %reduce_sum3A = arith.constant dense<0.000000e+00> : vector<512xf32>
      %reduce_sum3A_66 = vector.multi_reduction <add>, %add3A_55, %reduce_sum3A [0] : vector<1024x512xf32> to vector<512xf32>
      %broadcast_in_dim3A = vector.shape_cast %reduce_sum3A_66 : vector<512xf32> to vector<1x512xf32>
      %add3A_67 = arith.addf %get3A_65, %broadcast_in_dim3A : vector<1x512xf32>
      %swap3A_68 = arith.constant 0 : index
      %swap3A_69 = arith.constant 0 : index
      %swap3A_70 = vector.load %arg13[%swap3A_68, %swap3A_69] : memref<2x512xf32, #tpu.memory_space<vmem>>, vector<1x512xf32>
      tpu.vector_store %arg13[%swap3A_68, %swap3A_69], %add3A_67 {strides = array<i32>} : memref<2x512xf32, #tpu.memory_space<vmem>>, vector<1x512xf32>,
      %get3A_71 = arith.constant 1 : index
      %get3A_72 = arith.constant 0 : index
      %get3A_73 = vector.load %arg13[%get3A_71, %get3A_72] : memref<2x512xf32, #tpu.memory_space<vmem>>, vector<1x512xf32>
      %mul3A_74 = arith.mulf %add3A_55, %add3A_55 : vector<1024x512xf32>
      %reduce_sum3A_75 = arith.constant dense<0.000000e+00> : vector<512xf32>
      %reduce_sum3A_76 = vector.multi_reduction <add>, %mul3A_74, %reduce_sum3A_75 [0] : vector<1024x512xf32> to vector<512xf32>
      %broadcast_in_dim3A_77 = vector.shape_cast %reduce_sum3A_76 : vector<512xf32> to vector<1x512xf32>
      %add3A_78 = arith.addf %get3A_73, %broadcast_in_dim3A_77 : vector<1x512xf32>
      %swap3A_79 = arith.constant 1 : index
      %swap3A_80 = arith.constant 0 : index
      %swap3A_81 = vector.load %arg13[%swap3A_79, %swap3A_80] : memref<2x512xf32, #tpu.memory_space<vmem>>, vector<1x512xf32>
      tpu.vector_store %arg13[%swap3A_79, %swap3A_80], %add3A_78 {strides = array<i32>} : memref<2x512xf32, #tpu.memory_space<vmem>>, vector<1x512xf32>,
    } else {
    }
    %ge3A = arith.constant 16 : i32
    %ge3A_4 = arith.cmpi sge, %arg0, %ge3A : i32
    %convert_element_type3A_5 = arith.extui %ge3A_4 : i1 to i32
    %cond3A_6 = arith.constant 0 : i32
    %cond3A_7 = arith.cmpi ne, %convert_element_type3A_5, %cond3A_6 : i32
    scf.if %cond3A_7 {
      %get3A = arith.index_cast %mul3A_1 : i32 to index
      %get3A_8 = arith.constant 0 : index
      %get3A_9 = vector.load %arg12[%get3A, %get3A_8] : memref<16384x512xbf16, #tpu.memory_space<vmem>>, vector<1024x512xbf16>
      %convert_element_type3A_10 = arith.extf %get3A_9 : vector<1024x512xbf16> to vector<1024x512xf32>
      %get3A_11 = arith.constant 0 : index
      %get3A_12 = arith.constant 0 : index
      %get3A_13 = vector.load %arg13[%get3A_11, %get3A_12] : memref<2x512xf32, #tpu.memory_space<vmem>>, vector<2x512xf32>
      %get3A_14 = arith.constant 0 : index
      %get3A_15 = arith.constant 0 : index
      %get3A_16 = vector.load %arg7[%get3A_14, %get3A_15] : memref<1x512xf32, #tpu.memory_space<vmem>>, vector<1x512xf32>
      %get3A_17 = arith.constant 0 : index
      %get3A_18 = arith.constant 0 : index
      %get3A_19 = vector.load %arg8[%get3A_17, %get3A_18] : memref<1x512xf32, #tpu.memory_space<vmem>>, vector<1x512xf32>
      %slice3A = vector.extract_strided_slice %get3A_13 {offsets = [0, 0], sizes = [1, 512], strides = [1, 1]} : vector<2x512xf32> to vector<1x512xf32>
      %slice3A_20 = vector.extract_strided_slice %get3A_13 {offsets = [1, 0], sizes = [1, 512], strides = [1, 1]} : vector<2x512xf32> to vector<1x512xf32>
      %mul3A_21 = arith.constant 6.10351563E-5 : f32
      %mul3A_22 = vector.broadcast %mul3A_21 : f32 to vector<1x512xf32>
      %mul3A_23 = arith.mulf %slice3A, %mul3A_22 : vector<1x512xf32>
      %mul3A_24 = arith.constant 6.10351563E-5 : f32
      %mul3A_25 = vector.broadcast %mul3A_24 : f32 to vector<1x512xf32>
      %mul3A_26 = arith.mulf %slice3A_20, %mul3A_25 : vector<1x512xf32>
      %mul3A_27 = arith.mulf %mul3A_23, %mul3A_23 : vector<1x512xf32>
      %sub3A = arith.subf %mul3A_26, %mul3A_27 : vector<1x512xf32>
      %add3A = arith.constant 9.99999974E-6 : f32
      %add3A_28 = vector.broadcast %add3A : f32 to vector<1x512xf32>
      %add3A_29 = arith.addf %sub3A, %add3A_28 : vector<1x512xf32>
      %rsqrt3A = math.rsqrt %add3A_29 : vector<1x512xf32>
      %sub3A_30 = vector.broadcast %mul3A_23 : vector<1x512xf32> to vector<1024x512xf32>
      %sub3A_31 = arith.subf %convert_element_type3A_10, %sub3A_30 : vector<1024x512xf32>
      %mul3A_32 = arith.mulf %rsqrt3A, %get3A_16 : vector<1x512xf32>
      %mul3A_33 = vector.broadcast %mul3A_32 : vector<1x512xf32> to vector<1024x512xf32>
      %mul3A_34 = arith.mulf %sub3A_31, %mul3A_33 : vector<1024x512xf32>
      %add3A_35 = vector.broadcast %get3A_19 : vector<1x512xf32> to vector<1024x512xf32>
      %add3A_36 = arith.addf %mul3A_34, %add3A_35 : vector<1024x512xf32>
      %mul3A_37 = arith.constant 5.000000e-01 : f32
      %mul3A_38 = vector.broadcast %mul3A_37 : f32 to vector<1024x512xf32>
      %mul3A_39 = arith.mulf %mul3A_38, %add3A_36 : vector<1024x512xf32>
      %mul3A_40 = arith.constant 0.707106769 : f32
      %mul3A_41 = vector.broadcast %mul3A_40 : f32 to vector<1024x512xf32>
      %mul3A_42 = arith.mulf %add3A_36, %mul3A_41 : vector<1024x512xf32>
      %erf3A = math.erf %mul3A_42 : vector<1024x512xf32>
      %add3A_43 = arith.constant 1.000000e+00 : f32
      %add3A_44 = vector.broadcast %add3A_43 : f32 to vector<1024x512xf32>
      %add3A_45 = arith.addf %add3A_44, %erf3A : vector<1024x512xf32>
      %mul3A_46 = arith.mulf %mul3A_39, %add3A_45 : vector<1024x512xf32>
      %get3A_47 = arith.constant 0 : index
      %get3A_48 = arith.constant 0 : index
      %get3A_49 = vector.load %arg9[%get3A_47, %get3A_48] : memref<512x1xf32, #tpu.memory_space<vmem>>, vector<512x1xf32>
      %dot_general3A = arith.constant dense<0.000000e+00> : vector<1024x1xf32>
      %dot_general3A_50 = tpu.matmul %mul3A_46, %get3A_49, %dot_general3A {dimension_numbers = #tpu.dot_dimension_numbers<[1], [0], [0], [1], [0, 0, 1, 1], [], []>, transpose_lhs_hint = false} : vector<1024x512xf32>, vector<512x1xf32>, vector<1024x1xf32> -> vector<1024x1xf32>
      %get3A_51 = arith.constant 0 : index
      %get3A_52 = arith.constant 0 : index
      %get3A_53 = vector.load %arg10[%get3A_51, %get3A_52] : memref<1x1xf32, #tpu.memory_space<vmem>>, vector<1x1xf32>
      %add3A_54 = vector.broadcast %get3A_53 : vector<1x1xf32> to vector<1024x1xf32>
      %add3A_55 = arith.addf %dot_general3A_50, %add3A_54 : vector<1024x1xf32>
      %swap3A = arith.constant 0 : index
      %swap3A_56 = arith.constant 0 : index
      %swap3A_57 = vector.load %arg11[%swap3A, %swap3A_56] : memref<1024x1xf32, #tpu.memory_space<vmem>>, vector<1024x1xf32>
      tpu.vector_store %arg11[%swap3A, %swap3A_56], %add3A_55 {strides = array<i32>} : memref<1024x1xf32, #tpu.memory_space<vmem>>, vector<1024x1xf32>,
    } else {
    }
    return
  }
  func.func @transform_0(%arg0: i32) -> (i32, i32) {
    %lt3A = arith.constant 16 : i32
    %lt3A_0 = arith.cmpi slt, %arg0, %lt3A : i32
    %jit3A = arith.constant 15 : i32
    %select_n3A = arith.select %lt3A_0, %arg0, %jit3A : i32
    %c0_i32 = arith.constant 0 : i32
    %c0_i32_1 = arith.constant 0 : i32
    return %select_n3A, %c0_i32 : i32, i32
  }
  func.func @transform_1(%arg0: i32) -> (i32, i32) {
    %c0_i32 = arith.constant 0 : i32
    %c0_i32_0 = arith.constant 0 : i32
    %c0_i32_1 = arith.constant 0 : i32
    return %c0_i32, %c0_i32_0 : i32, i32
  }
  func.func @transform_2(%arg0: i32) -> (i32, i32) {
    %c0_i32 = arith.constant 0 : i32
    %c0_i32_0 = arith.constant 0 : i32
    %c0_i32_1 = arith.constant 0 : i32
    return %c0_i32, %c0_i32_0 : i32, i32
  }
  func.func @transform_3(%arg0: i32) -> (i32, i32) {
    %c0_i32 = arith.constant 0 : i32
    %c0_i32_0 = arith.constant 0 : i32
    %c0_i32_1 = arith.constant 0 : i32
    return %c0_i32, %c0_i32_0 : i32, i32
  }
  func.func @transform_4(%arg0: i32) -> (i32, i32) {
    %c0_i32 = arith.constant 0 : i32
    %c0_i32_0 = arith.constant 0 : i32
    %c0_i32_1 = arith.constant 0 : i32
    return %c0_i32, %c0_i32_0 : i32, i32
  }
  func.func @transform_5(%arg0: i32) -> (i32, i32) {
    %c0_i32 = arith.constant 0 : i32
    %c0_i32_0 = arith.constant 0 : i32
    %c0_i32_1 = arith.constant 0 : i32
    return %c0_i32, %c0_i32_0 : i32, i32
  }
  func.func @transform_6(%arg0: i32) -> (i32, i32) {
    %c0_i32 = arith.constant 0 : i32
    %c0_i32_0 = arith.constant 0 : i32
    %c0_i32_1 = arith.constant 0 : i32
    return %c0_i32, %c0_i32_0 : i32, i32
  }
  func.func @transform_7(%arg0: i32) -> (i32, i32) {
    %c0_i32 = arith.constant 0 : i32
    %c0_i32_0 = arith.constant 0 : i32
    %c0_i32_1 = arith.constant 0 : i32
    return %c0_i32, %c0_i32_0 : i32, i32
  }
  func.func @transform_8(%arg0: i32) -> (i32, i32) {
    %c0_i32 = arith.constant 0 : i32
    %c0_i32_0 = arith.constant 0 : i32
    %c0_i32_1 = arith.constant 0 : i32
    return %c0_i32, %c0_i32_0 : i32, i32
  }
  func.func @transform_9(%arg0: i32) -> (i32, i32) {
    %c0_i32 = arith.constant 0 : i32
    %c0_i32_0 = arith.constant 0 : i32
    %c0_i32_1 = arith.constant 0 : i32
    return %c0_i32, %c0_i32_0 : i32, i32
  }
  func.func @transform_10(%arg0: i32) -> (i32, i32) {
    %lt3A = arith.constant 16 : i32
    %lt3A_0 = arith.cmpi slt, %arg0, %lt3A : i32
    %sub3A = arith.constant 16 : i32
    %sub3A_1 = arith.subi %arg0, %sub3A : i32
    %jit3A = arith.constant 0 : i32
    %select_n3A = arith.select %lt3A_0, %jit3A, %sub3A_1 : i32
    %c0_i32 = arith.constant 0 : i32
    %c0_i32_2 = arith.constant 0 : i32
    return %select_n3A, %c0_i32 : i32, i32
  }
}

</mosaic_0001>

<sc_bundles>
// kernel: kernel.6.cloned.1.call-start
scs
__scs_entry_jumppad:
0x0: {  	(pc) =	sbr.rel $0x88, $3  }
0x1: {  	(tag) =	ssettag $0x0;
	lr =	simm.s32 $0x1  }
0x2: {  	[smem:$0x3F94] =	sst lr;
	_ =	strace $0xD0000000  }
0x3: {  	_ = 	snop  }
0x4: {  	_ = 	snop  }
0x5: {  	_ = 	snop  }
0x6: {  	_ = 	snop  }
0x7: {  	_ = 	snop  }
__scs_overlays_trampoline_lowered:
0x8: {  	[smem:$0x3FA3] =	sst s0  }
0x9: {  	[smem:$0x3FA4] =	sst s1  }
0xa: {  	[smem:$0x3FA5] =	sst s2  }
0xb: {  	[smem:$0x3FA6] =	sst s3  }
0xc: {  	[smem:$0x3FA7] =	sst s4  }
0xd: {  	[smem:$0x3FA8] =	sst s5  }
0xe: {  	[smem:$0x3FA9] =	sst s6  }
0xf: {  	[smem:$0x3FAA] =	sst s7  }
0x10: {  	[smem:$0x3FAB] =	sst s8  }
0x11: {  	[smem:$0x3FAC] =	sst s9;
	s0 =	simm.s32 @!p0 $0x0  }
0x12: {  	s1 =	sld [smem:$0x3F92];
	s0 =	simm.s32 @p0 $0x1  }
0x13: {  	[smem:$0x3FAD] =	sst s0;
	s0 =	simm.s32 @!p1 $0x0  }
0x14: {  	s2 =	sld [smem:$0x3F91];
	s0 =	simm.s32 @p1 $0x1  }
0x15: {  	[smem:$0x3FAE] =	sst s0;
	s0 =	simm.s32 @!p2 $0x0  }
0x16: {  	s3 =	sld [smem:$0x3FDB];
	s0 =	simm.s32 @p2 $0x1  }
0x17: {  	s4 =	simm.s32 $0x1BF5;
	[smem:$0x3FB0] =	sst s0  }
0x18: {  	s0 =	sld [smem:$0x3F93];
	_ =	swait.ge [sflag:s4], $0x0  }
0x19: {  	s7 =	sld [smem:$0x3F94]  }
0x1a: {  	s8 =	sadd.s32 $0xFFFFE003, lr  }
0x1b: {  	s9 =	sadd.s32 $0xFFFFFEF7, lr;
	s5 =	simm.s32 $0xFFFFFFFF;
	p2 =	slt.u32 s8, $0xFFFFF086  }
0x1c: {  	p1 =	slt.u32 s9, $0xF7A;
	s5 =	simm.s32 @!p2 $0x0  }
0x1d: {  	s5 =	simm.s32 @p1 $0x1;
	p0 =	seq.s32 s7, s2  }
0x1e: {  	s7 =	smul.u32 @!p0 $0xF7A, s2;
	p2 =	seq.s32 @!p0 s5, $0x0  }
0x1f: {  	s9 =	smul.u32 $0xF7A, s1;
	s8 =	simm.s32 @!p0 $0x1BF5;
	p2 =	por !p2, p0  }
0x20: {  	[sflag:s8] =	ssyncset.s32 @!p0 $0xFFFFF086;
	s6 =	sadd.s32 @!p0 s3, s7;
	s7 =	simm.s32 @!p0 $0x108  }
0x21: {  	s3 =	sadd.s32 s3, s9;
	s6 =	sadd.s32 @!p0 $0x88, s6;
	s7 =	simm.s32 @p2 $0x1082  }
0x22: {  	[simem:s7], [sflag:s8] =	dma.local @!p0 [hbm:s6], $0xF7A  }
0x23: {  	s9 =	sor.u32 $0xD0000000, s2;
	s6 =	simm.s32 $0x108;
	_ =	swait.ge @!p0 [sflag:s8], $0x0  }
0x24: {  	s3 =	sadd.s32 $0x88, s3;
	s6 =	simm.s32 @!p1 $0x1082;
	[sflag:s4] =	ssyncset.s32 $0xFFFFF086  }
0x25: {  	[simem:s6], [sflag:s4] =	dma.local [hbm:s3], $0xF7A  }
0x26: {  	[smem:$0x3F94] =	sst s1;
	(tag) =	ssettag s2;
	_ =	strace s9  }
0x27: {  	s1 =	sld [smem:$0x3FA4]  }
0x28: {  	s2 =	sld [smem:$0x3FA5]  }
0x29: {  	s4 =	sld [smem:$0x3FA7]  }
0x2a: {  	p0 =	seq.s32 s5, $0x0;
	s5 =	sld [smem:$0x3FA8]  }
0x2b: {  	s6 =	sld [smem:$0x3FA9]  }
0x2c: {  	s7 =	sld [smem:$0x3FAA]  }
0x2d: {  	s3 =	simm.s32 $0x108;
	s8 =	sld [smem:$0x3FAB]  }
0x2e: {  	s3 =	simm.s32 @!p0 $0x1082;
	s9 =	sld [smem:$0x3FAC]  }
0x2f: {  	lr =	sadd.s32 s0, s3;
	s0 =	sld [smem:$0x3FA3]  }
0x30: {  	s3 =	sld [smem:$0x3FA6]  }
0x31: {  	[smem:$0x3FAF] =	sst s10  }
0x32: {  	s10 =	sld [smem:$0x3FAD];
	_ =	sdelay $0x3  }
0x33: {  	p0 =	seq.s32 s10, $0x1;
	s10 =	sld [smem:$0x3FAF];
	_ =	sdelay $0x3  }
0x34: {  	[smem:$0x3FAF] =	sst s10  }
0x35: {  	s10 =	sld [smem:$0x3FAE];
	_ =	sdelay $0x3  }
0x36: {  	p1 =	seq.s32 s10, $0x1;
	s10 =	sld [smem:$0x3FAF];
	_ =	sdelay $0x3  }
0x37: {  	[smem:$0x3FAF] =	sst s10  }
0x38: {  	s10 =	sld [smem:$0x3FB0]  }
0x39: {  	_ = 	snop;
	(pc) =	sbr.ind lr, $3  }
0x3a: {  	_ = 	snop  }
0x3b: {  	_ = 	snop  }
0x3c: {  	p2 =	seq.s32 s10, $0x1;
	s10 =	sld [smem:$0x3FAF]  }
0x3d: {  	_ =	shalt  }
0x3e: {  	_ =	shalt  }
0x3f: {  	_ =	shalt  }
0x40: {  	_ =	shalt  }
0x41: {  	_ =	shalt  }
0x42: {  	_ =	shalt  }
0x43: {  	_ =	shalt  }
0x44: {  	_ =	shalt  }
0x45: {  	_ =	shalt  }
0x46: {  	_ =	shalt  }
0x47: {  	_ =	shalt  }
0x48: {  	_ =	shalt  }
0x49: {  	_ =	shalt  }
0x4a: {  	_ =	shalt  }
0x4b: {  	_ =	shalt  }
0x4c: {  	_ =	shalt  }
0x4d: {  	_ =	shalt  }
0x4e: {  	_ =	shalt  }
0x4f: {  	_ =	shalt  }
0x50: {  	_ =	shalt  }
0x51: {  	_ =	shalt  }
0x52: {  	_ =	shalt  }
0x53: {  	_ =	shalt  }
0x54: {  	_ =	shalt  }
0x55: {  	_ =	shalt  }
0x56: {  	_ =	shalt  }
0x57: {  	_ =	shalt  }
0x58: {  	_ =	shalt  }
0x59: {  	_ =	shalt  }
0x5a: {  	_ =	shalt  }
0x5b: {  	_ =	shalt  }
0x5c: {  	_ =	shalt  }
0x5d: {  	_ =	shalt  }
0x5e: {  	_ =	shalt  }
0x5f: {  	_ =	shalt  }
0x60: {  	_ =	shalt  }
0x61: {  	_ =	shalt  }
0x62: {  	_ =	shalt  }
0x63: {  	_ =	shalt  }
0x64: {  	_ =	shalt  }
0x65: {  	_ =	shalt  }
0x66: {  	_ =	shalt  }
0x67: {  	_ =	shalt  }
0x68: {  	_ =	shalt  }
0x69: {  	_ =	shalt  }
0x6a: {  	_ =	shalt  }
0x6b: {  	_ =	shalt  }
0x6c: {  	_ =	shalt  }
0x6d: {  	_ =	shalt  }
0x6e: {  	_ =	shalt  }
0x6f: {  	_ =	shalt  }
0x70: {  	_ =	shalt  }
0x71: {  	_ =	shalt  }
0x72: {  	_ =	shalt  }
0x73: {  	_ =	shalt  }
0x74: {  	_ =	shalt  }
0x75: {  	_ =	shalt  }
0x76: {  	_ =	shalt  }
0x77: {  	_ =	shalt  }
0x78: {  	_ =	shalt  }
0x79: {  	_ =	shalt  }
0x7a: {  	_ =	shalt  }
0x7b: {  	_ =	shalt  }
0x7c: {  	_ =	shalt  }
0x7d: {  	_ =	shalt  }
0x7e: {  	_ =	shalt  }
0x7f: {  	_ =	shalt  }
0x80: {  	_ =	shalt  }
0x81: {  	_ =	shalt  }
0x82: {  	_ =	shalt  }
0x83: {  	_ =	shalt  }
0x84: {  	_ =	shalt  }
0x85: {  	_ =	shalt  }
0x86: {  	_ =	shalt  }
0x87: {  	_ =	shalt  }
.Lfunc_end0:
.L_simem_size_0:
called_computation_lowered:
.L_overlay_start_0:
0x88: {  	s2 =	sld [smem:$0x3FD9]  }
0x89: {  	s3 =	sld [smem:$0x3FFE];
	_ =	sdelay $0x1  }
0x8a: {  	s1 =	srdreg.scid  }
0x8b: {  	s0 =	sand.u32 $0x1, s1  }
0x8c: {  	s16 =	sshll.u32 s0, $0xA;
	s2 =	sadd.s32 s3, s2  }
0x8d: {  	s2 =	sadd.s32 s2, s16  }
0x8e: {  	[smem:$0x3FBB] =	sst s2  }
0x8f: {  	_ = 	snop  }
0x90: {  	(tm) =	ssettm $0x1  }
0x91: {  	s17 =	sld [smem:$0x3FFB];
	_ =	sdelay $0x3  }
0x92: {  	_ =	strace s17  }
0x93: {  	s2 =	sld [smem:$0x3FFC];
	_ =	sdelay $0x3  }
0x94: {  	_ =	strace s2  }
0x95: {  	s2 =	sld [smem:$0x3FFD];
	_ =	sdelay $0x3  }
0x96: {  	_ =	strace s2  }
0x97: {  	_ =	strace $0x8FFFFFFF  }
0x98: {  	s18 =	sld [smem:$0x3FDB];
	_ =	sdelay $0x1  }
0x99: {  	s19 =	simm.s32 $_scs_section_size  }
0x9a: {  	s4 =	simm.s32 $_size__tile_overlayer_lowered;
	s5 =	simm.s32 $_tile_overlayer_lowered  }
0x9b: {  	s22 =	simm.s32 $0x1BFF;
	s21 =	sshll.u32 s5, $0x1;
	s2 =	sadd.s32 s19, s18  }
0x9c: {  	s6 =	simm.s32 $0x0;
	s20 =	sshll.u32 s4, $0x1;
	s4 =	sadd.s32 s21, s2  }
0x9d: {  	[timem:s6], [sflag:s22] =	dma.local [hbm:s4], s20  }
0x9e: {  	_ =	swait.ge [sflag:s22], s20  }
0x9f: {  	s3 =	ssub.s32 $0x0, s20;
	[sflag:s22] =	ssyncset.done $0x0  }
0xa0: {  	[sflag:s22] =	ssyncadd.s32 s3;
	_ =	sdelay $0x1  }
0xa1: {  	s23 =	simm.s32 $0x1B8B  }
0xa2: {  	_ =	swait.ge [sflag:s23], $0x1  }
0xa3: {  	[sflag:s23] =	ssyncset.done $0x0  }
0xa4: {  	s25 =	simm.s32 $0x1B8E;
	s24 =	sld [smem:$0x3FFE];
	[sflag:s23] =	ssyncadd.s32 $0xFFFFFFFF  }
0xa5: {  	s26 =	simm.s32 $execute0_lowered;
	[smem:$0x3FD2] =	sst s25  }
0xa6: {  	s4 =	sshll.u32 s26, $0x1;
	_ =	strace $0x80000046;
	[dreg:$0x1] =	wrdreg $0xFFFFFFFF  }
0xa7: {  	s28 =	simm.s32 $_size_execute0_lowered;
	s2 =	sadd.s32 s2, s4;
	[dreg:$0x0] =	wrdreg $0x0  }
0xa8: {  	s4 =	sshll.u32 s28, $0x1;
	[dreg:$0x2] =	wrdreg s2  }
0xa9: {  	[dreg:$0x3] =	wrdreg s4  }
0xaa: {  	[dreg:$0x4] =	wrdreg $0xC0  }
0xab: {  	_ =	task [dreg:s6], $0x5FFFF  }
0xac: {  	[dreg:$0x1] =	wrdreg $0xFFFFFFFF  }
0xad: {  	[dreg:$0x0] =	wrdreg $0x60  }
0xae: {  	[dreg:$0x2] =	wrdreg s24  }
0xaf: {  	[dreg:$0x3] =	wrdreg $0x9  }
0xb0: {  	_ =	task.clear_ibuf [dreg:s6], $0x4FFFF;
	_ =	strace $0x90000046  }
0xb1: {  	s29 =	simm.s32 $0x9;
	_ =	strace $0x80000048  }
0xb2: {  	_ =	swait.ge [sflag:s29], $0x1  }
0xb3: {  	[sflag:s29] =	ssyncadd.s32 $0xFFFFFFFF  }
0xb4: {  	_ =	strace $0x90000048  }
0xb5: {  	_ =	sfence  }
0xb6: {  	s30 =	sld [smem:$0x0];
	_ =	sdelay $0x2  }
0xb7: {  	s31 =	sshll.u32 s1, $0xD;
	s1 =	sshrl.u32 s1, $0x2  }
0xb8: {  	s3 =	sand.u32 $0x4000, s31;
	s1 =	sadd.s32 s1, s30  }
0xb9: {  	s0 =	sor.u32 s3, s0;
	s1 =	sshll.u32 s1, $0x11  }
0xba: {  	s0 =	sor.u32 s1, s0  }
0xbb: {  	s0 =	sadd.s32 $0x8F2B, s0  }
0xbc: {  	[sflag:s0] =	ssyncadd.remote.s32 $0x1  }
0xbd: {  	_ =	sfence.sel $0xFFFF  }
0xbe: {  	[dreg:$0x0] =	wrdreg $0xFFFFFFFF;
	(pc) =	sbr.abs _section_cstart, $3  }
0xbf: {  	[dreg:$0x1] =	wrdreg $0xFFFFFFFF  }
0xc0: {  	_ =	task.clear_ibuf [dreg:s6], $0x2FFFF;
	_ =	strace $0x9FFFFFFF  }
0xc1: {  	(tm) =	ssettm $0x7FFFFFFF  }
tec
execute0_lowered:
.L_overlay_start_1:
0x0: {  	(tag) =	ssettag $0x1  }
0x1: {  	s1 =	srdreg.scid  }
0x2: {  	s0 =	stileid.u32;
	s4 =	rddreg [dreg:$0x0];
	s2 =	simm.s32 $0x0  }
0x3: {  	s15 =	simm.s32 $0x8800;
	s16 =	simm.s32 $0x1;
	s10 =	smul.u32 $0x6800, s0  }
0x4: {  	s17 =	simm.s32 $0x2;
	s6 =	sand.u32 $0x1, s1;
	s13 =	smul.u32 $0x1A0000, s0  }
0x5: {  	s18 =	simm.s32 $0x6780;
	s23 =	sshll.u32 s0, $0x1;
	s12 =	smul.u32 $0x3400, s6  }
0x6: {  	s1 =	rddreg [dreg:$0x1];
	s7 =	sor.u32 s6, s23;
	s25 =	smul.u32 $0xD0000, s6  }
0x7: {  	s19 =	simm.s32 $0x0;
	[smem:$0x7FF] =	sst s2;
	s3 =	smul.u32 $0x680, s7  }
0x8: {  	s11 =	sadd.s32 $0x16CEC00, s4;
	s9 =	ssub.s32 $0x2, s6;
	s8 =	smul.u32 $0xD0000, s7  }
0x9: {  	_ =	strace $0x80000047;
	s24 =	sshrl.u32 s9, $0x1;
	s14 =	smul.u32 $0x1A000, s7  }
0xa: {  	s9 =	ssub.s32 s9, s24;
	s6 =	sadd.s32 s12, s10;
	s26 =	sadd.s32 s25, s13  }
0xb: {  	s12 =	simm.s32 $0x80;
	s13 =	simm.s32 $0x3400;
	s5 =	sadd.s32 s3, s4  }
0xc: {  	s3 =	sadd.s32 $0x1C00, s4;
	s8 =	sshrl.u32 s8, $0x3;
	s28 =	sshll.u32 s6, $0x3  }
0xd: {  	s29 =	sadd.s32 s11, s14;
	s30 =	sshrl.u32 s26, $0x3;
	s14 =	simm.s32 $0x6800  }
0xe: {  	s4 =	sadd.s32 $0x16C1C00, s5;
	s5 =	smax.u32 s9, $0x1;
	s8 =	sadd.s32 s11, s8  }
0xf: {  	s31 =	sadd.s32 s28, s11;
	s9 =	sadd.s32 s30, s11;
	s11 =	simm.s32 $0x3  }
0x10: {  	v0 =	vlaneseq.u32;
	s7 =	sadd.s32 $0x19800, s8;
	s8 =	sadd.s32 $0x19C00, s29;
	s10 =	sadd.s32 $0x400, s31  }
.LBB2_1:
0x11: {  	[tilespmem:s2], [sflag:$0x3] =	stream.linear.gather [hbm4b:s4+s2], $0x3400, $0x38;
	[tilespmem:$0xA800] =	vst v63  }
0x12: {  	s21 =	sadd.s32 $0x0, s6  }
0x13: {  	_ =	swait.ge [sflag:s11], $0x3400;
	v1 =	vor.u32 s21, v0  }
0x14: {  	[sflag:s11] =	ssyncset.done $0x0;
	v2 =	vmulhi.u32 $0x4EC4EC4F, v1  }
0x15: {  	s20 =	simm.s32 $0x40;
	[sflag:s11] =	ssyncadd.s32 $0xFFFFCC00  }
0x16: {  	v2 =	vshrl.u32 v2, $0x3;
	v3 =	vld [tilespmem:s20+$0xFFFFFFC0]  }
0x17: {  	v2 =	vmul.u32 $0x1A, v2;
	_ =	sdelay $0x1  }
0x18: {  	v1 =	vsub.s32 v1, v2  }
0x19: {  	v1 =	vmul.u32 $0x1C000, v1  }
0x1a: {  	v2 =	vshll.u32 v3, $0x1;
	v4 =	vshrl.u32 v3, $0xD  }
0x1b: {  	s22 =	sadd.s32 $0x10, s21;
	v2 =	vand.u32 $0x3FFE, v2;
	v4 =	vand.u32 $0x1, v4;
	v1 =	vadd.s32 v1, v3  }
0x1c: {  	v3 =	vor.u32 s22, v0;
	v2 =	vor.u32 v4, v2;
	v1 =	vand.u32 $0xFFFFC000, v1  }
0x1d: {  	s22 =	simm.s32 $0x3440;
	v4 =	vmulhi.u32 $0x4EC4EC4F, v3;
	v1 =	vor.u32 v1, v2  }
0x1e: {  	[tilespmem:s22+$0xFFFFFFC0] =	vst v1  }
0x1f: {  	v1 =	vshrl.u32 v4, $0x3;
	v2 =	vld [tilespmem:s20+$0xFFFFFFD0]  }
0x20: {  	v1 =	vmul.u32 $0x1A, v1;
	_ =	sdelay $0x1  }
0x21: {  	v1 =	vsub.s32 v3, v1  }
0x22: {  	v1 =	vmul.u32 $0x1C000, v1  }
0x23: {  	v3 =	vshll.u32 v2, $0x1;
	v4 =	vshrl.u32 v2, $0xD  }
0x24: {  	s23 =	sadd.s32 $0x20, s21;
	v1 =	vadd.s32 v1, v2;
	v2 =	vand.u32 $0x3FFE, v3;
	v3 =	vand.u32 $0x1, v4  }
0x25: {  	v4 =	vor.u32 s23, v0;
	v1 =	vand.u32 $0xFFFFC000, v1;
	v2 =	vor.u32 v3, v2  }
0x26: {  	v3 =	vmulhi.u32 $0x4EC4EC4F, v4;
	v1 =	vor.u32 v1, v2  }
0x27: {  	[tilespmem:s22+$0xFFFFFFD0] =	vst v1  }
0x28: {  	v1 =	vshrl.u32 v3, $0x3;
	v2 =	vld [tilespmem:s20+$0xFFFFFFE0]  }
0x29: {  	v1 =	vmul.u32 $0x1A, v1;
	_ =	sdelay $0x1  }
0x2a: {  	v1 =	vsub.s32 v4, v1  }
0x2b: {  	v1 =	vmul.u32 $0x1C000, v1  }
0x2c: {  	v3 =	vshll.u32 v2, $0x1;
	v4 =	vshrl.u32 v2, $0xD  }
0x2d: {  	s24 =	sadd.s32 $0x30, s21;
	v1 =	vadd.s32 v1, v2;
	v2 =	vand.u32 $0x3FFE, v3;
	v3 =	vand.u32 $0x1, v4  }
0x2e: {  	v4 =	vor.u32 s24, v0;
	v1 =	vand.u32 $0xFFFFC000, v1;
	v2 =	vor.u32 v3, v2  }
0x2f: {  	v3 =	vmulhi.u32 $0x4EC4EC4F, v4;
	v1 =	vor.u32 v1, v2  }
0x30: {  	[tilespmem:s22+$0xFFFFFFE0] =	vst v1  }
0x31: {  	v1 =	vshrl.u32 v3, $0x3;
	v2 =	vld [tilespmem:s20+$0xFFFFFFF0]  }
0x32: {  	v1 =	vmul.u32 $0x1A, v1;
	_ =	sdelay $0x1  }
0x33: {  	v1 =	vsub.s32 v4, v1  }
0x34: {  	v1 =	vmul.u32 $0x1C000, v1  }
0x35: {  	v3 =	vshll.u32 v2, $0x1;
	v4 =	vshrl.u32 v2, $0xD  }
0x36: {  	s25 =	sadd.s32 $0x40, s21;
	v1 =	vadd.s32 v1, v2;
	v2 =	vand.u32 $0x3FFE, v3;
	v3 =	vand.u32 $0x1, v4  }
0x37: {  	v4 =	vor.u32 s25, v0;
	v1 =	vand.u32 $0xFFFFC000, v1;
	v2 =	vor.u32 v3, v2  }
0x38: {  	v3 =	vmulhi.u32 $0x4EC4EC4F, v4;
	v1 =	vor.u32 v1, v2  }
0x39: {  	[tilespmem:s22+$0xFFFFFFF0] =	vst v1  }
0x3a: {  	v1 =	vshrl.u32 v3, $0x3;
	v2 =	vld [tilespmem:s20+$0x0]  }
0x3b: {  	v1 =	vmul.u32 $0x1A, v1;
	_ =	sdelay $0x1  }
0x3c: {  	v1 =	vsub.s32 v4, v1  }
0x3d: {  	v1 =	vmul.u32 $0x1C000, v1  }
0x3e: {  	v3 =	vshll.u32 v2, $0x1;
	v4 =	vshrl.u32 v2, $0xD  }
0x3f: {  	s26 =	sadd.s32 $0x50, s21;
	v1 =	vadd.s32 v1, v2;
	v2 =	vand.u32 $0x3FFE, v3;
	v3 =	vand.u32 $0x1, v4  }
0x40: {  	v4 =	vor.u32 s26, v0;
	v1 =	vand.u32 $0xFFFFC000, v1;
	v2 =	vor.u32 v3, v2  }
0x41: {  	v3 =	vmulhi.u32 $0x4EC4EC4F, v4;
	v1 =	vor.u32 v1, v2  }
0x42: {  	[tilespmem:s22+$0x0] =	vst v1  }
0x43: {  	v1 =	vshrl.u32 v3, $0x3;
	v2 =	vld [tilespmem:s20+$0x10]  }
0x44: {  	v1 =	vmul.u32 $0x1A, v1;
	_ =	sdelay $0x1  }
0x45: {  	v1 =	vsub.s32 v4, v1  }
0x46: {  	v1 =	vmul.u32 $0x1C000, v1  }
0x47: {  	v3 =	vshll.u32 v2, $0x1;
	v4 =	vshrl.u32 v2, $0xD  }
0x48: {  	s24 =	sadd.s32 $0x60, s21;
	v1 =	vadd.s32 v1, v2;
	v2 =	vand.u32 $0x3FFE, v3;
	v3 =	vand.u32 $0x1, v4  }
0x49: {  	v4 =	vor.u32 s24, v0;
	v1 =	vand.u32 $0xFFFFC000, v1;
	v2 =	vor.u32 v3, v2  }
0x4a: {  	v3 =	vmulhi.u32 $0x4EC4EC4F, v4;
	v1 =	vor.u32 v1, v2  }
0x4b: {  	[tilespmem:s22+$0x10] =	vst v1  }
0x4c: {  	v1 =	vshrl.u32 v3, $0x3;
	v2 =	vld [tilespmem:s20+$0x20]  }
0x4d: {  	v1 =	vmul.u32 $0x1A, v1;
	_ =	sdelay $0x1  }
0x4e: {  	v1 =	vsub.s32 v4, v1  }
0x4f: {  	v1 =	vmul.u32 $0x1C000, v1  }
0x50: {  	v3 =	vshll.u32 v2, $0x1;
	v4 =	vshrl.u32 v2, $0xD  }
0x51: {  	s21 =	sadd.s32 $0x70, s21;
	v1 =	vadd.s32 v1, v2;
	v2 =	vand.u32 $0x3FFE, v3;
	v3 =	vand.u32 $0x1, v4  }
0x52: {  	v4 =	vor.u32 s21, v0;
	v1 =	vand.u32 $0xFFFFC000, v1;
	v2 =	vor.u32 v3, v2  }
0x53: {  	v3 =	vmulhi.u32 $0x4EC4EC4F, v4;
	v1 =	vor.u32 v1, v2  }
0x54: {  	[tilespmem:s22+$0x20] =	vst v1  }
0x55: {  	v1 =	vshrl.u32 v3, $0x3;
	v2 =	vld [tilespmem:s20+$0x30]  }
0x56: {  	v1 =	vmul.u32 $0x1A, v1;
	_ =	sdelay $0x1  }
0x57: {  	v1 =	vsub.s32 v4, v1  }
0x58: {  	v1 =	vmul.u32 $0x1C000, v1  }
0x59: {  	s26 =	sadd.s32 $0x80, s6;
	v3 =	vshll.u32 v2, $0x1;
	v4 =	vshrl.u32 v2, $0xD  }
0x5a: {  	s31 =	simm.s32 $0x100;
	s25 =	sadd.s32 $0x10, s26;
	v2 =	vadd.s32 v1, v2;
	v3 =	vand.u32 $0x3FFE, v3;
	v4 =	vand.u32 $0x1, v4  }
0x5b: {  	s30 =	sadd.s32 $0x20, s26;
	s29 =	sadd.s32 $0x30, s26;
	s28 =	sadd.s32 $0x40, s26;
	v1 =	vor.u32 s26, v0;
	v5 =	vand.u32 $0xFFFFC000, v2;
	v4 =	vor.u32 v4, v3  }
0x5c: {  	s23 =	sadd.s32 $0x60, s26;
	s24 =	sadd.s32 $0x50, s26;
	s21 =	simm.s32 $0x34C0;
	v2 =	vor.u32 s25, v0;
	v3 =	vmulhi.u32 $0x4EC4EC4F, v1;
	v4 =	vor.u32 v5, v4  }
.LBB2_2:
0x5d: {  	v6 =	vor.u32 s29, v0;
	s29 =	sadd.s32 $0x70, s26;
	s20 =	sadd.s32 $0x80, s20  }
0x5e: {  	v5 =	vor.u32 s30, v0;
	[tilespmem:s22+$0x30] =	vst v4;
	s26 =	smov.u32 s31;
	s25 =	sadd.s32 $0x80, s31;
	s22 =	smov.u32 s21  }
0x5f: {  	p0 =	sne.s32 s31, $0x3380;
	v3 =	vshrl.u32 v3, $0x3;
	v4 =	vld [tilespmem:s20+$0xFFFFFFC0];
	v7 =	vmulhi.u32 $0x4EC4EC4F, v5;
	v8 =	vor.u32 s29, v0  }
0x60: {  	v9 =	vmulhi.u32 $0x4EC4EC4F, v6;
	v3 =	vmul.u32 $0x1A, v3  }
0x61: {  	v10 =	vmulhi.u32 $0x4EC4EC4F, v8;
	v7 =	vshrl.u32 v7, $0x3  }
0x62: {  	v1 =	vsub.s32 v1, v3;
	v3 =	vmul.u32 $0x1A, v7;
	v7 =	vshrl.u32 v9, $0x3  }
0x63: {  	v9 =	vshrl.u32 v10, $0x3;
	v1 =	vmul.u32 $0x1C000, v1;
	v7 =	vmul.u32 $0x1A, v7  }
0x64: {  	v10 =	vshll.u32 v4, $0x1;
	v11 =	vshrl.u32 v4, $0xD;
	v3 =	vsub.s32 v5, v3  }
0x65: {  	v5 =	vand.u32 $0x3FFE, v10;
	v10 =	vand.u32 $0x1, v11;
	v1 =	vadd.s32 v1, v4  }
0x66: {  	v4 =	vor.u32 v10, v5;
	v1 =	vand.u32 $0xFFFFC000, v1;
	v5 =	vmulhi.u32 $0x4EC4EC4F, v2  }
0x67: {  	v1 =	vor.u32 v1, v4;
	v4 =	vsub.s32 v6, v7;
	v6 =	vmul.u32 $0x1A, v9  }
0x68: {  	[tilespmem:s21+$0xFFFFFFC0] =	vst v1;
	v1 =	vshrl.u32 v5, $0x3  }
0x69: {  	v5 =	vmul.u32 $0x1A, v1;
	v7 =	vld [tilespmem:s20+$0xFFFFFFD0];
	v1 =	vsub.s32 v8, v6;
	_ =	sdelay $0x1  }
0x6a: {  	v2 =	vsub.s32 v2, v5  }
0x6b: {  	v2 =	vmul.u32 $0x1C000, v2;
	_ =	sdelay $0x1  }
0x6c: {  	v5 =	vshll.u32 v7, $0x1;
	v6 =	vshrl.u32 v7, $0xD;
	v2 =	vadd.s32 v2, v7  }
0x6d: {  	v5 =	vand.u32 $0x3FFE, v5;
	v6 =	vand.u32 $0x1, v6  }
0x6e: {  	v2 =	vand.u32 $0xFFFFC000, v2;
	v5 =	vor.u32 v6, v5  }
0x6f: {  	v2 =	vor.u32 v2, v5  }
0x70: {  	[tilespmem:s21+$0xFFFFFFD0] =	vst v2  }
0x71: {  	v2 =	vld [tilespmem:s20+$0xFFFFFFE0];
	_ =	sdelay $0x2  }
0x72: {  	v3 =	vmul.u32 $0x1C000, v3;
	_ =	sdelay $0x1  }
0x73: {  	v5 =	vshll.u32 v2, $0x1;
	v6 =	vshrl.u32 v2, $0xD;
	v2 =	vadd.s32 v3, v2  }
0x74: {  	v3 =	vand.u32 $0x3FFE, v5;
	v5 =	vand.u32 $0x1, v6  }
0x75: {  	v2 =	vand.u32 $0xFFFFC000, v2;
	v3 =	vor.u32 v5, v3  }
0x76: {  	v2 =	vor.u32 v2, v3  }
0x77: {  	[tilespmem:s21+$0xFFFFFFE0] =	vst v2  }
0x78: {  	v2 =	vld [tilespmem:s20+$0xFFFFFFF0];
	_ =	sdelay $0x2  }
0x79: {  	v3 =	vmul.u32 $0x1C000, v4;
	_ =	sdelay $0x1  }
0x7a: {  	v4 =	vshll.u32 v2, $0x1;
	v5 =	vshrl.u32 v2, $0xD;
	v2 =	vadd.s32 v3, v2  }
0x7b: {  	v3 =	vand.u32 $0x3FFE, v4;
	v4 =	vand.u32 $0x1, v5;
	v5 =	vor.u32 s28, v0  }
0x7c: {  	v2 =	vand.u32 $0xFFFFC000, v2;
	v3 =	vor.u32 v4, v3;
	v4 =	vmulhi.u32 $0x4EC4EC4F, v5  }
0x7d: {  	v2 =	vor.u32 v2, v3  }
0x7e: {  	[tilespmem:s21+$0xFFFFFFF0] =	vst v2;
	v2 =	vshrl.u32 v4, $0x3  }
0x7f: {  	v2 =	vmul.u32 $0x1A, v2;
	v3 =	vld [tilespmem:s20+$0x0];
	_ =	sdelay $0x1  }
0x80: {  	v2 =	vsub.s32 v5, v2  }
0x81: {  	v2 =	vmul.u32 $0x1C000, v2;
	_ =	sdelay $0x1  }
0x82: {  	v4 =	vshll.u32 v3, $0x1;
	v5 =	vshrl.u32 v3, $0xD;
	v2 =	vadd.s32 v2, v3  }
0x83: {  	v3 =	vand.u32 $0x3FFE, v4;
	v4 =	vand.u32 $0x1, v5;
	v5 =	vor.u32 s24, v0  }
0x84: {  	v2 =	vand.u32 $0xFFFFC000, v2;
	v3 =	vor.u32 v4, v3;
	v4 =	vmulhi.u32 $0x4EC4EC4F, v5  }
0x85: {  	v2 =	vor.u32 v2, v3  }
0x86: {  	[tilespmem:s21+$0x0] =	vst v2;
	v2 =	vshrl.u32 v4, $0x3  }
0x87: {  	v2 =	vmul.u32 $0x1A, v2;
	v3 =	vld [tilespmem:s20+$0x10];
	_ =	sdelay $0x1  }
0x88: {  	v2 =	vsub.s32 v5, v2  }
0x89: {  	v2 =	vmul.u32 $0x1C000, v2;
	_ =	sdelay $0x1  }
0x8a: {  	v4 =	vshll.u32 v3, $0x1;
	v5 =	vshrl.u32 v3, $0xD;
	v2 =	vadd.s32 v2, v3  }
0x8b: {  	v3 =	vand.u32 $0x3FFE, v4;
	v4 =	vand.u32 $0x1, v5;
	v5 =	vor.u32 s23, v0  }
0x8c: {  	v2 =	vand.u32 $0xFFFFC000, v2;
	v3 =	vor.u32 v4, v3;
	v4 =	vmulhi.u32 $0x4EC4EC4F, v5  }
0x8d: {  	v2 =	vor.u32 v2, v3  }
0x8e: {  	[tilespmem:s21+$0x10] =	vst v2;
	v2 =	vshrl.u32 v4, $0x3  }
0x8f: {  	v2 =	vmul.u32 $0x1A, v2;
	v3 =	vld [tilespmem:s20+$0x20];
	_ =	sdelay $0x1  }
0x90: {  	v2 =	vsub.s32 v5, v2  }
0x91: {  	v2 =	vmul.u32 $0x1C000, v2;
	_ =	sdelay $0x1  }
0x92: {  	v4 =	vshll.u32 v3, $0x1;
	v5 =	vshrl.u32 v3, $0xD;
	v2 =	vadd.s32 v2, v3  }
0x93: {  	v3 =	vand.u32 $0x3FFE, v4;
	v4 =	vand.u32 $0x1, v5  }
0x94: {  	v2 =	vand.u32 $0xFFFFC000, v2;
	v3 =	vor.u32 v4, v3  }
0x95: {  	v2 =	vor.u32 v2, v3  }
0x96: {  	[tilespmem:s21+$0x20] =	vst v2  }
0x97: {  	v2 =	vld [tilespmem:s20+$0x30];
	_ =	sdelay $0x2  }
0x98: {  	v1 =	vmul.u32 $0x1C000, v1  }
.Ltmp0:
0x99: {  	(pc) =	sbr.rel @p0 .LBB2_2-.Ltmp0, $4  }
0x9a: {  	v3 =	vshll.u32 v2, $0x1;
	v4 =	vshrl.u32 v2, $0xD;
	v2 =	vadd.s32 v1, v2  }
0x9b: {  	s26 =	sadd.s32 s26, s6;
	s31 =	smov.u32 s25;
	s21 =	sadd.s32 $0x80, s21;
	v3 =	vand.u32 $0x3FFE, v3;
	v4 =	vand.u32 $0x1, v4  }
0x9c: {  	s30 =	sadd.s32 $0x20, s26;
	s29 =	sadd.s32 $0x30, s26;
	s23 =	sadd.s32 $0x10, s26;
	v1 =	vor.u32 s26, v0;
	v5 =	vand.u32 $0xFFFFC000, v2;
	v4 =	vor.u32 v4, v3  }
0x9d: {  	s28 =	sadd.s32 $0x40, s26;
	s24 =	sadd.s32 $0x50, s26;
	v2 =	vor.u32 s23, v0;
	s23 =	sadd.s32 $0x60, s26;
	v3 =	vmulhi.u32 $0x4EC4EC4F, v1;
	v4 =	vor.u32 v5, v4  }
0x9e: {  	[tilespmem:s22+$0x30] =	vst v4;
	s20 =	sadd.s32 $0x80, s20  }
0x9f: {  	v3 =	vshrl.u32 v3, $0x3;
	v4 =	vld [tilespmem:s20+$0xFFFFFFC0]  }
0xa0: {  	v3 =	vmul.u32 $0x1A, v3;
	_ =	sdelay $0x1  }
0xa1: {  	v1 =	vsub.s32 v1, v3  }
0xa2: {  	v1 =	vmul.u32 $0x1C000, v1  }
0xa3: {  	v3 =	vshll.u32 v4, $0x1;
	v5 =	vshrl.u32 v4, $0xD  }
0xa4: {  	v3 =	vand.u32 $0x3FFE, v3;
	v5 =	vand.u32 $0x1, v5;
	v1 =	vadd.s32 v1, v4  }
0xa5: {  	v3 =	vor.u32 v5, v3;
	v1 =	vand.u32 $0xFFFFC000, v1  }
0xa6: {  	v50 =	vmulhi.u32 $0x4EC4EC4F, v2;
	v1 =	vor.u32 v1, v3  }
0xa7: {  	[tilespmem:s21+$0xFFFFFFC0] =	vst v1  }
0xa8: {  	v1 =	vshrl.u32 v50, $0x3;
	v3 =	vld [tilespmem:s20+$0xFFFFFFD0]  }
0xa9: {  	v1 =	vmul.u32 $0x1A, v1;
	_ =	sdelay $0x1  }
0xaa: {  	v1 =	vsub.s32 v2, v1  }
0xab: {  	v1 =	vmul.u32 $0x1C000, v1  }
0xac: {  	v2 =	vshll.u32 v3, $0x1;
	v51 =	vshrl.u32 v3, $0xD  }
0xad: {  	v1 =	vadd.s32 v1, v3;
	v2 =	vand.u32 $0x3FFE, v2;
	v3 =	vand.u32 $0x1, v51  }
0xae: {  	v52 =	vor.u32 s30, v0;
	v1 =	vand.u32 $0xFFFFC000, v1;
	v2 =	vor.u32 v3, v2  }
0xaf: {  	v3 =	vmulhi.u32 $0x4EC4EC4F, v52;
	v1 =	vor.u32 v1, v2  }
0xb0: {  	[tilespmem:s21+$0xFFFFFFD0] =	vst v1  }
0xb1: {  	v1 =	vshrl.u32 v3, $0x3;
	v2 =	vld [tilespmem:s20+$0xFFFFFFE0]  }
0xb2: {  	v1 =	vmul.u32 $0x1A, v1;
	_ =	sdelay $0x1  }
0xb3: {  	v1 =	vsub.s32 v52, v1  }
0xb4: {  	v1 =	vmul.u32 $0x1C000, v1  }
0xb5: {  	v3 =	vshll.u32 v2, $0x1;
	v53 =	vshrl.u32 v2, $0xD  }
0xb6: {  	v1 =	vadd.s32 v1, v2;
	v2 =	vand.u32 $0x3FFE, v3;
	v3 =	vand.u32 $0x1, v53  }
0xb7: {  	v54 =	vor.u32 s29, v0;
	v1 =	vand.u32 $0xFFFFC000, v1;
	v2 =	vor.u32 v3, v2  }
0xb8: {  	v3 =	vmulhi.u32 $0x4EC4EC4F, v54;
	v1 =	vor.u32 v1, v2  }
0xb9: {  	[tilespmem:s21+$0xFFFFFFE0] =	vst v1  }
0xba: {  	v1 =	vshrl.u32 v3, $0x3;
	v2 =	vld [tilespmem:s20+$0xFFFFFFF0]  }
0xbb: {  	v1 =	vmul.u32 $0x1A, v1;
	_ =	sdelay $0x1  }
0xbc: {  	v1 =	vsub.s32 v54, v1  }
0xbd: {  	v1 =	vmul.u32 $0x1C000, v1  }
0xbe: {  	v3 =	vshll.u32 v2, $0x1;
	v55 =	vshrl.u32 v2, $0xD  }
0xbf: {  	v1 =	vadd.s32 v1, v2;
	v2 =	vand.u32 $0x3FFE, v3;
	v3 =	vand.u32 $0x1, v55  }
0xc0: {  	v56 =	vor.u32 s28, v0;
	v1 =	vand.u32 $0xFFFFC000, v1;
	v2 =	vor.u32 v3, v2  }
0xc1: {  	v3 =	vmulhi.u32 $0x4EC4EC4F, v56;
	v1 =	vor.u32 v1, v2  }
0xc2: {  	[tilespmem:s21+$0xFFFFFFF0] =	vst v1  }
0xc3: {  	v1 =	vshrl.u32 v3, $0x3;
	v2 =	vld [tilespmem:s20+$0x0]  }
0xc4: {  	v1 =	vmul.u32 $0x1A, v1;
	_ =	sdelay $0x1  }
0xc5: {  	v1 =	vsub.s32 v56, v1  }
0xc6: {  	v1 =	vmul.u32 $0x1C000, v1  }
0xc7: {  	v3 =	vshll.u32 v2, $0x1;
	v57 =	vshrl.u32 v2, $0xD  }
0xc8: {  	v1 =	vadd.s32 v1, v2;
	v2 =	vand.u32 $0x3FFE, v3;
	v3 =	vand.u32 $0x1, v57  }
0xc9: {  	v58 =	vor.u32 s24, v0;
	v1 =	vand.u32 $0xFFFFC000, v1;
	v2 =	vor.u32 v3, v2  }
0xca: {  	v3 =	vmulhi.u32 $0x4EC4EC4F, v58;
	v1 =	vor.u32 v1, v2  }
0xcb: {  	[tilespmem:s21+$0x0] =	vst v1  }
0xcc: {  	v1 =	vshrl.u32 v3, $0x3;
	v2 =	vld [tilespmem:s20+$0x10]  }
0xcd: {  	v1 =	vmul.u32 $0x1A, v1;
	_ =	sdelay $0x1  }
0xce: {  	v1 =	vsub.s32 v58, v1  }
0xcf: {  	v1 =	vmul.u32 $0x1C000, v1  }
0xd0: {  	v3 =	vshll.u32 v2, $0x1;
	v59 =	vshrl.u32 v2, $0xD  }
0xd1: {  	v1 =	vadd.s32 v1, v2;
	v2 =	vand.u32 $0x3FFE, v3;
	v3 =	vand.u32 $0x1, v59  }
0xd2: {  	v60 =	vor.u32 s23, v0;
	v1 =	vand.u32 $0xFFFFC000, v1;
	v2 =	vor.u32 v3, v2  }
0xd3: {  	v3 =	vmulhi.u32 $0x4EC4EC4F, v60;
	v1 =	vor.u32 v1, v2  }
0xd4: {  	[tilespmem:s21+$0x10] =	vst v1  }
0xd5: {  	v1 =	vshrl.u32 v3, $0x3;
	v2 =	vld [tilespmem:s20+$0x20]  }
0xd6: {  	v1 =	vmul.u32 $0x1A, v1;
	_ =	sdelay $0x1  }
0xd7: {  	v1 =	vsub.s32 v60, v1  }
0xd8: {  	v1 =	vmul.u32 $0x1C000, v1  }
0xd9: {  	v3 =	vshll.u32 v2, $0x1;
	v61 =	vshrl.u32 v2, $0xD  }
0xda: {  	s26 =	sadd.s32 $0x70, s26;
	v1 =	vadd.s32 v1, v2;
	v2 =	vand.u32 $0x3FFE, v3;
	v3 =	vand.u32 $0x1, v61  }
0xdb: {  	v62 =	vor.u32 s26, v0;
	v1 =	vand.u32 $0xFFFFC000, v1;
	v2 =	vor.u32 v3, v2  }
0xdc: {  	v3 =	vmulhi.u32 $0x4EC4EC4F, v62;
	v1 =	vor.u32 v1, v2  }
0xdd: {  	[tilespmem:s21+$0x20] =	vst v1  }
0xde: {  	v1 =	vshrl.u32 v3, $0x3;
	v2 =	vld [tilespmem:s20+$0x30]  }
0xdf: {  	v1 =	vmul.u32 $0x1A, v1;
	_ =	sdelay $0x1  }
0xe0: {  	v1 =	vsub.s32 v62, v1  }
0xe1: {  	v1 =	vmul.u32 $0x1C000, v1  }
0xe2: {  	v3 =	vshll.u32 v2, $0x1;
	v63 =	vshrl.u32 v2, $0xD  }
0xe3: {  	v1 =	vadd.s32 v1, v2;
	v2 =	vand.u32 $0x3FFE, v3;
	v3 =	vand.u32 $0x1, v63  }
0xe4: {  	v1 =	vand.u32 $0xFFFFC000, v1;
	v2 =	vor.u32 v3, v2  }
0xe5: {  	v1 =	vor.u32 v1, v2  }
0xe6: {  	[tilespmem:s21+$0x30] =	vst v1  }
0xe7: {  	[tilespmem:s14], [sflag:$0x1] =	stream.indirect.gather [hbm4b:s3+s12], $0x40, s13, s12, $0xb8;
	[tilespmem:$0xA800] =	vst v63  }
0xe8: {  	s28 =	simm.s32 $0x3480  }
0xe9: {  	[tilespmem:s15], [sflag:$0x2] =	stream.indirect.gather [hbm4b:s3+s12], $0x40, s28, s12, $0xb8;
	[tilespmem:$0xA800] =	vst v63  }
0xea: {  	_ =	swait.ge [sflag:s16], $0x2000  }
0xeb: {  	[sflag:s16] =	ssyncset.done $0x0  }
0xec: {  	s29 =	sadd.s32 $0x0, s9;
	[sflag:s16] =	ssyncadd.s32 $0xFFFFE000  }
0xed: {  	[hbm4b:s29+s2] =	stream.linear.scatter [tilespmem:s14], [sflag:$0x3], $0x2000, $0x38;
	[tilespmem:$0xA800] =	vst v63  }
0xee: {  	_ =	swait.ge [sflag:s11], $0x2000  }
0xef: {  	[sflag:s11] =	ssyncset.done $0x0  }
0xf0: {  	s30 =	simm.s32 $0x3500;
	[sflag:s11] =	ssyncadd.s32 $0xFFFFE000  }
0xf1: {  	[tilespmem:s14], [sflag:$0x1] =	stream.indirect.gather [hbm4b:s3+s12], $0x40, s30, s12, $0xb8;
	[tilespmem:$0xA800] =	vst v63  }
0xf2: {  	_ =	swait.ge [sflag:s17], $0x2000  }
0xf3: {  	[sflag:s17] =	ssyncset.done $0x0  }
0xf4: {  	s31 =	sadd.s32 $0x0, s10;
	[sflag:s17] =	ssyncadd.s32 $0xFFFFE000  }
0xf5: {  	[hbm4b:s31+s2] =	stream.linear.scatter [tilespmem:s15], [sflag:$0x3], $0x2000, $0x38;
	[tilespmem:$0xA800] =	vst v63  }
0xf6: {  	s22 =	simm.s32 $0x1000;
	_ =	swait.ge [sflag:s11], $0x2000  }
0xf7: {  	s20 =	simm.s32 $0x800;
	s21 =	simm.s32 $0x3600;
	[sflag:s11] =	ssyncset.done $0x0  }
.LBB2_4:
0xf8: {  	p0 =	sne.s32 s22, $0x19000;
	s23 =	sadd.s32 $0xFFFFFF80, s21;
	[sflag:s11] =	ssyncadd.s32 $0xFFFFE000  }
0xf9: {  	[tilespmem:s15], [sflag:$0x2] =	stream.indirect.gather [hbm4b:s3+s12], $0x40, s23, s12, $0xb8;
	[tilespmem:$0xA800] =	vst v63  }
0xfa: {  	s23 =	smov.u32 s22;
	s22 =	sadd.s32 $0x800, s22;
	_ =	swait.ge [sflag:s16], $0x2000  }
0xfb: {  	[sflag:s16] =	ssyncset.done $0x0  }
0xfc: {  	s24 =	sadd.s32 s20, s9;
	[sflag:s16] =	ssyncadd.s32 $0xFFFFE000  }
0xfd: {  	[hbm4b:s24+s2] =	stream.linear.scatter [tilespmem:s14], [sflag:$0x3], $0x2000, $0x38;
	[tilespmem:$0xA800] =	vst v63  }
0xfe: {  	_ =	swait.ge [sflag:s11], $0x2000  }
0xff: {  	[sflag:s11] =	ssyncset.done $0x0  }
0x100: {  	[sflag:s11] =	ssyncadd.s32 $0xFFFFE000  }
0x101: {  	[tilespmem:s14], [sflag:$0x1] =	stream.indirect.gather [hbm4b:s3+s12], $0x40, s21, s12, $0xb8;
	[tilespmem:$0xA800] =	vst v63  }
0x102: {  	_ =	swait.ge [sflag:s17], $0x2000  }
.Ltmp1:
0x103: {  	[sflag:s17] =	ssyncset.done $0x0;
	(pc) =	sbr.rel @p0 .LBB2_4-.Ltmp1, $4  }
0x104: {  	s24 =	sadd.s32 s20, s10;
	s20 =	smov.u32 s23;
	[sflag:s17] =	ssyncadd.s32 $0xFFFFE000  }
0x105: {  	[hbm4b:s24+s2] =	stream.linear.scatter [tilespmem:s15], [sflag:$0x3], $0x2000, $0x38;
	[tilespmem:$0xA800] =	vst v63  }
0x106: {  	_ =	swait.ge [sflag:s11], $0x2000  }
0x107: {  	s21 =	sadd.s32 $0x100, s21;
	[sflag:s11] =	ssyncset.done $0x0  }
0x108: {  	s22 =	sadd.s32 $0xFFFFFF80, s21;
	[sflag:s11] =	ssyncadd.s32 $0xFFFFE000  }
0x109: {  	[tilespmem:s15], [sflag:$0x2] =	stream.indirect.gather [hbm4b:s3+s12], $0x40, s22, s12, $0xb8;
	[tilespmem:$0xA800] =	vst v63  }
0x10a: {  	_ =	swait.ge [sflag:s16], $0x2000  }
0x10b: {  	[sflag:s16] =	ssyncset.done $0x0  }
0x10c: {  	s30 =	sadd.s32 s20, s9;
	[sflag:s16] =	ssyncadd.s32 $0xFFFFE000  }
0x10d: {  	[hbm4b:s30+s2] =	stream.linear.scatter [tilespmem:s14], [sflag:$0x3], $0x2000, $0x38;
	[tilespmem:$0xA800] =	vst v63  }
0x10e: {  	_ =	swait.ge [sflag:s11], $0x2000  }
0x10f: {  	[sflag:s11] =	ssyncset.done $0x0  }
0x110: {  	[sflag:s11] =	ssyncadd.s32 $0xFFFFE000  }
0x111: {  	[tilespmem:s14], [sflag:$0x1] =	stream.indirect.gather [hbm4b:s3+s12], $0x40, s21, s12, $0xb8;
	[tilespmem:$0xA800] =	vst v63  }
0x112: {  	_ =	swait.ge [sflag:s17], $0x2000  }
0x113: {  	[sflag:s17] =	ssyncset.done $0x0  }
0x114: {  	s31 =	sadd.s32 s20, s10;
	[sflag:s17] =	ssyncadd.s32 $0xFFFFE000  }
0x115: {  	[hbm4b:s31+s2] =	stream.linear.scatter [tilespmem:s15], [sflag:$0x3], $0x2000, $0x38;
	[tilespmem:$0xA800] =	vst v63  }
0x116: {  	_ =	swait.ge [sflag:s11], $0x2000  }
0x117: {  	[sflag:s11] =	ssyncset.done $0x0  }
0x118: {  	[sflag:s11] =	ssyncadd.s32 $0xFFFFE000  }
0x119: {  	[tilespmem:s15], [sflag:$0x2] =	stream.indirect.gather [hbm4b:s3+s12], $0x40, s18, s12, $0xb8;
	[tilespmem:$0xA800] =	vst v63  }
0x11a: {  	_ =	swait.ge [sflag:s16], $0x2000  }
0x11b: {  	[sflag:s16] =	ssyncset.done $0x0  }
0x11c: {  	[sflag:s16] =	ssyncadd.s32 $0xFFFFE000  }
0x11d: {  	[hbm4b:s7+s2] =	stream.linear.scatter [tilespmem:s14], [sflag:$0x3], $0x2000, $0x38;
	[tilespmem:$0xA800] =	vst v63  }
0x11e: {  	_ =	swait.ge [sflag:s11], $0x2000  }
0x11f: {  	[sflag:s11] =	ssyncset.done $0x0  }
0x120: {  	[sflag:s11] =	ssyncadd.s32 $0xFFFFE000  }
0x121: {  	s19 =	sadd.s32 $0x1, s19;
	_ =	swait.ge [sflag:s17], $0x2000  }
0x122: {  	p0 =	sne.s32 s19, s5;
	[sflag:s17] =	ssyncset.done $0x0  }
.Ltmp2:
0x123: {  	[sflag:s17] =	ssyncadd.s32 $0xFFFFE000;
	(pc) =	sbr.rel @p0 .LBB2_1-.Ltmp2, $4  }
0x124: {  	[hbm4b:s8+s2] =	stream.linear.scatter [tilespmem:s15], [sflag:$0x3], $0x2000, $0x38;
	[tilespmem:$0xA800] =	vst v63  }
0x125: {  	_ =	swait.ge [sflag:s11], $0x2000  }
0x126: {  	[sflag:s11] =	ssyncset.done $0x0  }
0x127: {  	[sflag:s11] =	ssyncadd.s32 $0xFFFFE000  }
0x128: {  	_ =	sfence.sel $0x180000  }
0x129: {  	[bflag:$0x0] =	sbarrier.arrive $0xFFFF  }
0x12a: {  	p0 =	sne.s32 s0, $0x0;
	_ =	strace $0x90000047  }
0x12b: {  	s0 =	sadd.s32 @!p0 $0x100000, s1;
	[bflag:$0x2] =	sbarrier.arrive $0xFFFF  }
0x12c: {  	[sflag:s0] =	ssyncadd.tile.s32 @!p0 $0x1;
	_ =	shalt  }
.Lfunc_end2:
_tile_overlayer_lowered:
.L_overlay_start_2:
0x12d: {  	(tag) =	ssettag $0x2  }
0x12e: {  	s0 =	rddreg [dreg:$0x0];
	s2 =	stileid.u32  }
0x12f: {  	s1 =	rddreg [dreg:$0x1];
	p0 =	sne.s32 s2, $0x0  }
0x130: {  	s3 =	rddreg [dreg:$0x2];
	[bflag:$0x3] =	sbarrier.arrive $0xFFFF;
	s2 =	simm.s32 @!p0 $0x1C03  }
0x131: {  	[timem:s3], [sflag:s2] =	dma.local @!p0 [hbm:s0], s1  }
0x132: {  	s0 =	simm.s32 @!p0 $0x3  }
0x133: {  	_ =	swait.ge @!p0 [sflag:s0], s1  }
0x134: {  	s1 =	ssub.s32 @!p0 $0x0, s1;
	[sflag:s0] =	ssyncset.done @!p0 $0x0  }
0x135: {  	[sflag:s0] =	ssyncadd.s32 @!p0 s1  }
0x136: {  	[bflag:$0x3] =	sbarrier.arrive $0xFFFF  }
0x137: {  	_ =	shalt  }

</sc_bundles>
